<compile_context>
chip_gen: v7x
topology: tpu7x:2x2x1
jax: 0.10.2.dev20260603
libtpu: 0.0.44.dev20260713+nightly
codegen_flags: <defaults>
</compile_context>

<pallas_src>
import jax
import jax.numpy as jnp
import numpy as np
from jax import lax
from jax.experimental import pallas as pl
from jax.experimental.pallas import tpu as pltpu
from jax.experimental.pallas import tpu_sc as plsc

ENC_DIM = 512
FINAL_DIM = 256
NUM_NEG = 100
NEG_PAD = 112
INV_TEMP = 10.0

_B, _T = 4, 512
_ROWS = _B * _T
_NW = 32
_NSPLIT = 1
_BPC = _B // _NSPLIT
_CROWS_TOT = _ROWS // _NSPLIT
_RPW = _CROWS_TOT // _NW

_IDX_CACHE = None

_ROT0 = (13, 15, 26, 6)
_ROT1 = (17, 29, 16, 24)


def _threefry2x32(k1, k2, x0, x1):
    err = np.seterr(over="ignore")
    ks = [np.uint32(k1), np.uint32(k2),
          np.uint32(k1) ^ np.uint32(k2) ^ np.uint32(0x1BD11BDA)]
    x = [x0.astype(np.uint32) + ks[0], x1.astype(np.uint32) + ks[1]]
    rots = [_ROT0, _ROT1]
    kidx = [(1, 2), (2, 0), (0, 1), (1, 2), (2, 0)]
    for i in range(5):
        for r in rots[i % 2]:
            x[0] = (x[0] + x[1]).astype(np.uint32)
            x[1] = x[0] ^ ((x[1] << np.uint32(r))
                           | (x[1] >> np.uint32(32 - r))).astype(np.uint32)
        a, b = kidx[i]
        x[0] = (x[0] + ks[a]).astype(np.uint32)
        x[1] = (x[1] + ks[b] + np.uint32(i + 1)).astype(np.uint32)
    np.seterr(**err)
    return x[0], x[1]


def _np_random_bits(k1, k2, n):
    cnt = np.arange(n, dtype=np.uint64)
    c1 = (cnt >> np.uint64(32)).astype(np.uint32)
    c2 = (cnt & np.uint64(0xFFFFFFFF)).astype(np.uint32)
    b1, b2 = _threefry2x32(k1, k2, c1, c2)
    return b1 ^ b2


def _neg_indices():
    global _IDX_CACHE
    if _IDX_CACHE is None:
        n = _B * NUM_NEG * _T
        b1, b2 = _threefry2x32(np.uint32(0), np.uint32(42),
                               np.zeros(2, np.uint32),
                               np.arange(2, dtype=np.uint32))
        hi = _np_random_bits(b1[0], b2[0], n)
        lo = _np_random_bits(b1[1], b2[1], n)
        span = np.uint32(_T - 1)
        mult = np.uint32((2 ** 16) % int(span))
        mult = np.uint32((int(mult) * int(mult)) % int(span))
        err = np.seterr(over="ignore")
        ni = (((hi % span) * mult + lo % span) % span).astype(np.int32)
        np.seterr(**err)
        ni = ni.reshape(_B, NUM_NEG * _T)
        tszs = np.repeat(np.arange(_T, dtype=np.int32), NUM_NEG)
        ni = np.where(ni >= tszs[None, :], ni + 1, ni)
        idx = ni.reshape(_B, _T, NUM_NEG)
        pad = np.broadcast_to(
            np.arange(_T, dtype=np.int32)[None, :, None],
            (_B, _T, NEG_PAD - NUM_NEG))
        idx = np.concatenate([idx, pad], axis=-1).reshape(_ROWS, NEG_PAD)
        idx = (idx >> 7) * (_RPW * 128) + (idx & 127)
        _IDX_CACHE = np.ascontiguousarray(idx).astype(np.int32)
    return _IDX_CACHE




def _mm3(a, b, dn):
    bf16 = jnp.bfloat16
    return lax.dot_general(a.astype(bf16), b.astype(bf16), dn,
                           preferred_element_type=jnp.float32)


def _stage_a_body(cf_ref, q_ref, wy_ref, by_ref, wf_ref, bf_ref, s_ref):
    dn_nt = (((1,), (1,)), ((), ()))
    cf = cf_ref[0].T
    q = q_ref[0].T
    y = _mm3(cf, wy_ref[...], dn_nt) + by_ref[...]
    x = _mm3(q, wf_ref[...], dn_nt) + bf_ref[...]
    ny = jnp.maximum(jnp.sqrt(jnp.sum(y * y, axis=1, keepdims=True)), 1e-8)
    nx = jnp.maximum(jnp.sqrt(jnp.sum(x * x, axis=1, keepdims=True)), 1e-8)
    yh = y / ny
    xh = x / nx
    for j in range(_T // 128):
        sj = _mm3(xh, yh[128 * j:128 * (j + 1), :], dn_nt)
        s_ref[pl.ds(j * _T, _T), :] = sj * INV_TEMP


def _stage_a(cf, q, wy, by, wf, bf, off):
    bmap = lambda b: (b + off, 0, 0)
    return pl.pallas_call(
        _stage_a_body,
        grid=(_BPC,),
        in_specs=[
            pl.BlockSpec((1, ENC_DIM, _T), bmap),
            pl.BlockSpec((1, ENC_DIM, _T), bmap),
            pl.BlockSpec((FINAL_DIM, ENC_DIM), lambda b: (0, 0)),
            pl.BlockSpec((1, FINAL_DIM), lambda b: (0, 0)),
            pl.BlockSpec((FINAL_DIM, ENC_DIM), lambda b: (0, 0)),
            pl.BlockSpec((1, FINAL_DIM), lambda b: (0, 0)),
        ],
        out_specs=[
            pl.BlockSpec((4 * _T, 128), lambda b: (b, 0)),
        ],
        out_shape=[
            jax.ShapeDtypeStruct((_BPC * 4 * _T, 128), jnp.float32),
        ],
    )(cf, q, wy, by, wf, bf)




_NCHUNK = 1
_CROWS = _RPW // _NCHUNK


_WPB = 512 // _RPW


def _stage_b_body(s_hbm, idx_hbm, out_hbm, s_v, idx_v, z_v, *sems):
    cid = lax.axis_index("c")
    sid = lax.axis_index("s")
    wid = sid * 2 + cid
    base = wid * _RPW
    b = wid // _WPB
    tbase = (wid - b * _WPB) * _RPW

    copies = [
        [pltpu.async_copy(
            s_hbm.at[pl.ds(b * (4 * _T * 128) + j * (_T * 128)
                           + (tbase + c * _CROWS) * 128, _CROWS * 128)],
            s_v.at[pl.ds(j * (_RPW * 128) + c * _CROWS * 128, _CROWS * 128)],
            sems[c])
         for j in range(4)]
        for c in range(_NCHUNK)
    ]
    pltpu.sync_copy(idx_hbm.at[pl.ds(base * NEG_PAD, _RPW * NEG_PAD)], idx_v)

    lanes = lax.iota(jnp.int32, 16)
    lane0 = lanes == 0

    def one_row(i):
        t = tbase + i
        roff = i * 128
        tadr = (t >> 7) * (_RPW * 128) + (t & 127) + roff
        ti = jnp.full((16,), tadr, jnp.int32)
        pos = plsc.load_gather(s_v, [ti])
        acc = jnp.zeros((16,), jnp.float32)
        for k in range(NEG_PAD // 16):
            iv = idx_v[pl.ds(i * NEG_PAD + k * 16, 16)]
            sv = plsc.load_gather(s_v, [iv + roff])
            acc = acc + jnp.where(sv == pos, 0.0, jnp.exp(sv - pos))
        return 1.0 + jnp.sum(acc)

    def row4(p, carry):
        i = p * 4
        z0 = one_row(i)
        z1 = one_row(i + 1)
        z2 = one_row(i + 2)
        z3 = one_row(i + 3)
        zv = jnp.where(lanes == 0, z0,
                       jnp.where(lanes == 1, z1,
                                 jnp.where(lanes == 2, z2, z3)))
        plsc.store_scatter(z_v, [jnp.full((16,), i, jnp.int32) + lanes],
                           zv, mask=lanes < 4)
        return carry

    for c in range(_NCHUNK):
        for h in copies[c]:
            h.wait()
        lax.fori_loop(c * _CROWS // 4, (c + 1) * _CROWS // 4, row4, 0)
    pltpu.sync_copy(z_v, out_hbm.at[pl.ds(base, _RPW)])


def _stage_b(s2, idx):
    mesh = plsc.VectorSubcoreMesh(core_axis_name="c", subcore_axis_name="s")
    fn = pl.kernel(
        _stage_b_body,
        out_type=jax.ShapeDtypeStruct((_CROWS_TOT,), jnp.float32),
        mesh=mesh,
        compiler_params=pltpu.CompilerParams(needs_layout_passes=False),
        scratch_types=[
            pltpu.VMEM((_RPW * _T,), jnp.float32),
            pltpu.VMEM((_RPW * NEG_PAD,), jnp.int32),
            pltpu.VMEM((_RPW,), jnp.float32),
        ] + [pltpu.SemaphoreType.DMA] * _NCHUNK,
    )
    return fn(s2, idx)




def _stage_c_body(*refs):
    zs, out_ref = refs[:-1], refs[-1]
    out_ref[0, 0] = sum(jnp.sum(jnp.log(z[...])) for z in zs)


def _stage_c(*zs):
    out = pl.pallas_call(
        _stage_c_body,
        out_shape=jax.ShapeDtypeStruct((1, 1), jnp.float32),
        out_specs=pl.BlockSpec(memory_space=pltpu.SMEM),
    )(*[z.reshape(_CROWS_TOT // 128, 128) for z in zs])
    return out


def kernel(cnn_feat, mask_indices, quantized, W_y, b_y, W_f, b_f):
    del mask_indices
    by = b_y.reshape(1, -1)
    bf = b_f.reshape(1, -1)
    idx_np = _neg_indices()
    idxs = [
        jnp.asarray(idx_np[h * _CROWS_TOT:(h + 1) * _CROWS_TOT].reshape(-1))
        for h in range(_NSPLIT)
    ]
    zs = []
    for h in range(_NSPLIT):
        (s,) = _stage_a(cnn_feat, quantized, W_y, by, W_f, bf, h * _BPC)
        zs.append(_stage_b(s.reshape(_CROWS_TOT * _T), idxs[h]))
    loss = _stage_c(*zs)
    return loss.reshape(())

# --- scband reference (transcript-rebuilt; emitter-appended) ---
"""Pipeline reference for scband-contrasive-criterion-56401510531190 (READ-ONLY COPY).

The authoritative reference and input builder live on the scoring server;
editing this copy changes nothing except your own understanding.
"""

import jax, jax.numpy as jnp
import numpy as np

ENC_DIM = 512
FINAL_DIM = 256
NUM_NEG = 100
LOGIT_TEMP = 0.1


def setup_inputs(seed: int = 0) -> dict:
    key = jax.random.key(seed)
    k1, k2, k3, k4, k5, k6 = jax.random.split(key, 6)
    B, C, T = 4, 512, 512
    cnn_feat = jax.random.normal(k1, (B, C, T), dtype=jnp.float32)
    quantized = jax.random.normal(k2, (B, C, T), dtype=jnp.float32)
    mask_indices = jnp.ones((B, T), dtype=bool)
    lim = 1.0 / np.sqrt(ENC_DIM)
    W_y = jax.random.uniform(k3, (FINAL_DIM, ENC_DIM), jnp.float32, -lim, lim)
    b_y = jax.random.uniform(k4, (FINAL_DIM,), jnp.float32, -lim, lim)
    W_f = jax.random.uniform(k5, (FINAL_DIM, ENC_DIM), jnp.float32, -lim, lim)
    b_f = jax.random.uniform(k6, (FINAL_DIM,), jnp.float32, -lim, lim)
    return {"cnn_feat": cnn_feat, "mask_indices": mask_indices, "quantized": quantized,
            "W_y": W_y, "b_y": b_y, "W_f": W_f, "b_f": b_f}


def _sample_negatives(y, key):
    bsz, tsz, fsz = y.shape
    num = tsz
    high = tsz
    yf = y.reshape(-1, fsz)
    tszs = jnp.repeat(jnp.arange(num), NUM_NEG)  # [num * NUM_NEG]
    neg_idxs = jax.random.randint(key, (bsz, NUM_NEG * num), 0, high - 1)
    neg_idxs = jnp.where(neg_idxs >= tszs[None, :], neg_idxs + 1, neg_idxs)
    neg_idxs = neg_idxs + jnp.arange(bsz)[:, None] * high
    negs = yf[neg_idxs.reshape(-1)].reshape(bsz, num, NUM_NEG, fsz)
    negs = jnp.transpose(negs, (2, 0, 1, 3))
    return negs


def _cosine(a, b):
    num = jnp.sum(a * b, axis=-1)
    na = jnp.maximum(jnp.linalg.norm(a, axis=-1), 1e-8)
    nb = jnp.maximum(jnp.linalg.norm(b, axis=-1), 1e-8)
    return num / (na * nb)


def reference(cnn_feat, mask_indices, quantized, W_y, b_y, W_f, b_f):
    B = cnn_feat.shape[0]
    cf = jnp.transpose(cnn_feat, (0, 2, 1))  # [B, T, C]
    y = jnp.where(mask_indices[:, :, None], cf, 0.0).reshape(B, -1, cf.shape[-1])
    y = y @ W_y.T + b_y
    negs = _sample_negatives(y, jax.random.key(42))  # [N, B, M, F]
    q = jnp.transpose(quantized, (0, 2, 1))
    x = jnp.where(mask_indices[:, :, None], q, 0.0).reshape(B, -1, q.shape[-1])
    x = x @ W_f.T + b_f
    neg_is_pos = jnp.all(y[None] == negs, axis=-1)  # [N, B, M]
    targets = jnp.concatenate([y[None], negs], axis=0)  # [N+1, B, M, F]
    logits = _cosine(x[None].astype(jnp.float32), targets.astype(jnp.float32)) / LOGIT_TEMP
    logits = logits.at[1:].set(jnp.where(neg_is_pos, -jnp.inf, logits[1:]))
    lt = jnp.transpose(logits, (2, 1, 0)).reshape(-1, logits.shape[0])  # [B*M, N+1]
    logz = jax.nn.logsumexp(lt, axis=-1)
    loss = jnp.sum(logz - lt[:, 0])
    return loss

if __name__ == "__main__":
    import jax
    _d = setup_inputs()
    print(jax.jit(kernel)(*tuple(_d.values())))

</pallas_src>

<mosaic_0001>
#map = affine_map<(d0, d1) -> (0)>
module attributes {stable_mosaic.version = 14 : i64} {
  func.func @_stage_b_body(%arg0: i32, %arg1: i32, %arg2: memref<1048576xf32, #tpu.memory_space<hbm>>, %arg3: memref<229376xi32, #tpu.memory_space<hbm>>, %arg4: memref<2048xf32, #tpu.memory_space<hbm>>, %arg5: memref<32768xf32, #tpu.memory_space<vmem>>, %arg6: memref<7168xi32, #tpu.memory_space<vmem>>, %arg7: memref<64xf32, #tpu.memory_space<vmem>>, %arg8: memref<!tpu.dma_semaphore, #tpu.memory_space<semaphore_mem>>) attributes {dimension_semantics = [#tpu.dimension_semantics<core_parallel>, #tpu.dimension_semantics<subcore_parallel>], iteration_bounds = array<i64: 2, 16>, scalar_prefetch = 0 : i64, scratch_operands = 4 : i64, tpu.core_type = #tpu.core_type<sc_vector_subcore>, window_params = [{transform_indices = #map}, {transform_indices = #map}, {transform_indices = #map}]} {
    %mul3A = arith.constant 2 : i32
    %mul3A_0 = arith.muli %arg1, %mul3A : i32
    %add3A = arith.addi %mul3A_0, %arg0 : i32
    %mul3A_1 = arith.constant 64 : i32
    %mul3A_2 = arith.muli %add3A, %mul3A_1 : i32
    %jit3A = arith.constant 8 : i32
    %div3A = arith.divsi %add3A, %jit3A : i32
    %sign3A = arith.constant 0 : i32
    %sign3A_3 = arith.cmpi sgt, %add3A, %sign3A : i32
    %sign3A_4 = arith.extui %sign3A_3 : i1 to i32
    %sign3A_5 = arith.constant 0 : i32
    %sign3A_6 = arith.cmpi slt, %add3A, %sign3A_5 : i32
    %sign3A_7 = arith.extui %sign3A_6 : i1 to i32
    %sign3A_8 = arith.subi %sign3A_4, %sign3A_7 : i32
    %sign3A_9 = arith.constant 0 : i32
    %sign3A_10 = arith.cmpi sgt, %jit3A, %sign3A_9 : i32
    %sign3A_11 = arith.extui %sign3A_10 : i1 to i32
    %sign3A_12 = arith.constant 0 : i32
    %sign3A_13 = arith.cmpi slt, %jit3A, %sign3A_12 : i32
    %sign3A_14 = arith.extui %sign3A_13 : i1 to i32
    %sign3A_15 = arith.subi %sign3A_11, %sign3A_14 : i32
    %ne3A = arith.cmpi ne, %sign3A_8, %sign3A_15 : i32
    %rem3A = arith.remsi %add3A, %jit3A : i32
    %ne3A_16 = arith.constant 0 : i32
    %ne3A_17 = arith.cmpi ne, %rem3A, %ne3A_16 : i32
    %and3A = arith.andi %ne3A, %ne3A_17 : i1
    %sub3A = arith.constant 1 : i32
    %sub3A_18 = arith.subi %div3A, %sub3A : i32
    %select_n3A = arith.select %and3A, %sub3A_18, %div3A : i32
    %mul3A_19 = arith.constant 8 : i32
    %mul3A_20 = arith.muli %select_n3A, %mul3A_19 : i32
    %sub3A_21 = arith.subi %add3A, %mul3A_20 : i32
    %mul3A_22 = arith.constant 64 : i32
    %mul3A_23 = arith.muli %sub3A_21, %mul3A_22 : i32
    %mul3A_24 = arith.constant 262144 : i32
    %mul3A_25 = arith.muli %select_n3A, %mul3A_24 : i32
    %add3A_26 = arith.constant 0 : i32
    %add3A_27 = arith.addi %mul3A_25, %add3A_26 : i32
    %add3A_28 = arith.constant 0 : i32
    %add3A_29 = arith.addi %mul3A_23, %add3A_28 : i32
    %mul3A_30 = arith.constant 128 : i32
    %mul3A_31 = arith.muli %add3A_29, %mul3A_30 : i32
    %add3A_32 = arith.addi %add3A_27, %mul3A_31 : i32
    %dma_start3A = arith.constant 0 : i32
    %dma_start3A_33 = tpu.memref_slice %arg5[%dma_start3A] : memref<32768xf32, #tpu.memory_space<vmem>> -> memref<8192xf32, #tpu.memory_space<vmem>>
    %dma_start3A_34 = tpu.memref_slice %arg2[%add3A_32] : memref<1048576xf32, #tpu.memory_space<hbm>> -> memref<8192xf32, #tpu.memory_space<hbm>>
    %dma_start3A_35 = arith.constant 0 : i32
    %dma_start3A_36 = tpu.memref_slice %arg5[%dma_start3A_35] : memref<32768xf32, #tpu.memory_space<vmem>> -> memref<8192xf32, #tpu.memory_space<vmem>>
    %dma_start3A_37 = tpu.memref_slice %arg2[%add3A_32] : memref<1048576xf32, #tpu.memory_space<hbm>> -> memref<8192xf32, #tpu.memory_space<hbm>>
    tpu.enqueue_dma source(%dma_start3A_37 : memref<8192xf32, #tpu.memory_space<hbm>>) target(%dma_start3A_36 : memref<8192xf32, #tpu.memory_space<vmem>>) target_semaphore(%arg8 : memref<!tpu.dma_semaphore, #tpu.memory_space<semaphore_mem>>)
    %mul3A_38 = arith.constant 262144 : i32
    %mul3A_39 = arith.muli %select_n3A, %mul3A_38 : i32
    %add3A_40 = arith.constant 65536 : i32
    %add3A_41 = arith.addi %mul3A_39, %add3A_40 : i32
    %add3A_42 = arith.constant 0 : i32
    %add3A_43 = arith.addi %mul3A_23, %add3A_42 : i32
    %mul3A_44 = arith.constant 128 : i32
    %mul3A_45 = arith.muli %add3A_43, %mul3A_44 : i32
    %add3A_46 = arith.addi %add3A_41, %mul3A_45 : i32
    %dma_start3A_47 = arith.constant 8192 : i32
    %dma_start3A_48 = tpu.memref_slice %arg5[%dma_start3A_47] : memref<32768xf32, #tpu.memory_space<vmem>> -> memref<8192xf32, #tpu.memory_space<vmem>>
    %dma_start3A_49 = tpu.memref_slice %arg2[%add3A_46] : memref<1048576xf32, #tpu.memory_space<hbm>> -> memref<8192xf32, #tpu.memory_space<hbm>>
    %dma_start3A_50 = arith.constant 8192 : i32
    %dma_start3A_51 = tpu.memref_slice %arg5[%dma_start3A_50] : memref<32768xf32, #tpu.memory_space<vmem>> -> memref<8192xf32, #tpu.memory_space<vmem>>
    %dma_start3A_52 = tpu.memref_slice %arg2[%add3A_46] : memref<1048576xf32, #tpu.memory_space<hbm>> -> memref<8192xf32, #tpu.memory_space<hbm>>
    tpu.enqueue_dma source(%dma_start3A_52 : memref<8192xf32, #tpu.memory_space<hbm>>) target(%dma_start3A_51 : memref<8192xf32, #tpu.memory_space<vmem>>) target_semaphore(%arg8 : memref<!tpu.dma_semaphore, #tpu.memory_space<semaphore_mem>>)
    %mul3A_53 = arith.constant 262144 : i32
    %mul3A_54 = arith.muli %select_n3A, %mul3A_53 : i32
    %add3A_55 = arith.constant 131072 : i32
    %add3A_56 = arith.addi %mul3A_54, %add3A_55 : i32
    %add3A_57 = arith.constant 0 : i32
    %add3A_58 = arith.addi %mul3A_23, %add3A_57 : i32
    %mul3A_59 = arith.constant 128 : i32
    %mul3A_60 = arith.muli %add3A_58, %mul3A_59 : i32
    %add3A_61 = arith.addi %add3A_56, %mul3A_60 : i32
    %dma_start3A_62 = arith.constant 16384 : i32
    %dma_start3A_63 = tpu.memref_slice %arg5[%dma_start3A_62] : memref<32768xf32, #tpu.memory_space<vmem>> -> memref<8192xf32, #tpu.memory_space<vmem>>
    %dma_start3A_64 = tpu.memref_slice %arg2[%add3A_61] : memref<1048576xf32, #tpu.memory_space<hbm>> -> memref<8192xf32, #tpu.memory_space<hbm>>
    %dma_start3A_65 = arith.constant 16384 : i32
    %dma_start3A_66 = tpu.memref_slice %arg5[%dma_start3A_65] : memref<32768xf32, #tpu.memory_space<vmem>> -> memref<8192xf32, #tpu.memory_space<vmem>>
    %dma_start3A_67 = tpu.memref_slice %arg2[%add3A_61] : memref<1048576xf32, #tpu.memory_space<hbm>> -> memref<8192xf32, #tpu.memory_space<hbm>>
    tpu.enqueue_dma source(%dma_start3A_67 : memref<8192xf32, #tpu.memory_space<hbm>>) target(%dma_start3A_66 : memref<8192xf32, #tpu.memory_space<vmem>>) target_semaphore(%arg8 : memref<!tpu.dma_semaphore, #tpu.memory_space<semaphore_mem>>)
    %mul3A_68 = arith.constant 262144 : i32
    %mul3A_69 = arith.muli %select_n3A, %mul3A_68 : i32
    %add3A_70 = arith.constant 196608 : i32
    %add3A_71 = arith.addi %mul3A_69, %add3A_70 : i32
    %add3A_72 = arith.constant 0 : i32
    %add3A_73 = arith.addi %mul3A_23, %add3A_72 : i32
    %mul3A_74 = arith.constant 128 : i32
    %mul3A_75 = arith.muli %add3A_73, %mul3A_74 : i32
    %add3A_76 = arith.addi %add3A_71, %mul3A_75 : i32
    %dma_start3A_77 = arith.constant 24576 : i32
    %dma_start3A_78 = tpu.memref_slice %arg5[%dma_start3A_77] : memref<32768xf32, #tpu.memory_space<vmem>> -> memref<8192xf32, #tpu.memory_space<vmem>>
    %dma_start3A_79 = tpu.memref_slice %arg2[%add3A_76] : memref<1048576xf32, #tpu.memory_space<hbm>> -> memref<8192xf32, #tpu.memory_space<hbm>>
    %dma_start3A_80 = arith.constant 24576 : i32
    %dma_start3A_81 = tpu.memref_slice %arg5[%dma_start3A_80] : memref<32768xf32, #tpu.memory_space<vmem>> -> memref<8192xf32, #tpu.memory_space<vmem>>
    %dma_start3A_82 = tpu.memref_slice %arg2[%add3A_76] : memref<1048576xf32, #tpu.memory_space<hbm>> -> memref<8192xf32, #tpu.memory_space<hbm>>
    tpu.enqueue_dma source(%dma_start3A_82 : memref<8192xf32, #tpu.memory_space<hbm>>) target(%dma_start3A_81 : memref<8192xf32, #tpu.memory_space<vmem>>) target_semaphore(%arg8 : memref<!tpu.dma_semaphore, #tpu.memory_space<semaphore_mem>>)
    %mul3A_83 = arith.constant 112 : i32
    %mul3A_84 = arith.muli %mul3A_2, %mul3A_83 : i32
    "tpu.region"() ({
      %run_scoped3A = tpu.sem_alloc : memref<!tpu.dma_semaphore, #tpu.memory_space<semaphore_mem>>
      %dma_start3A_115 = tpu.memref_slice %arg3[%mul3A_84] : memref<229376xi32, #tpu.memory_space<hbm>> -> memref<7168xi32, #tpu.memory_space<hbm>>
      %dma_start3A_116 = tpu.memref_slice %arg3[%mul3A_84] : memref<229376xi32, #tpu.memory_space<hbm>> -> memref<7168xi32, #tpu.memory_space<hbm>>
      tpu.enqueue_dma source(%dma_start3A_116 : memref<7168xi32, #tpu.memory_space<hbm>>) target(%arg6 : memref<7168xi32, #tpu.memory_space<vmem>>) target_semaphore(%run_scoped3A : memref<!tpu.dma_semaphore, #tpu.memory_space<semaphore_mem>>)
      %dma_wait3A_117 = tpu.memref_slice %arg3[%mul3A_84] : memref<229376xi32, #tpu.memory_space<hbm>> -> memref<7168xi32, #tpu.memory_space<hbm>>
      %dma_wait3A_118 = tpu.memref_slice %arg3[%mul3A_84] : memref<229376xi32, #tpu.memory_space<hbm>> -> memref<7168xi32, #tpu.memory_space<hbm>>
      tpu.wait_dma2 semaphore(%run_scoped3A : memref<!tpu.dma_semaphore, #tpu.memory_space<semaphore_mem>>) src(%dma_wait3A_118 : memref<7168xi32, #tpu.memory_space<hbm>>) dst(%arg6 : memref<7168xi32, #tpu.memory_space<vmem>>)
      tpu.yield
    }) : () -> ()
    %iota3A = tpu.iota {dimensions = array<i32: 0>} : vector<16xi32>
    %eq3A = arith.constant 0 : i32
    %eq3A_85 = vector.broadcast %eq3A : i32 to vector<16xi32>
    %eq3A_86 = arith.cmpi eq, %iota3A, %eq3A_85 : vector<16xi32>
    %dma_wait3A = arith.constant 0 : i32
    %dma_wait3A_87 = tpu.memref_slice %arg5[%dma_wait3A] : memref<32768xf32, #tpu.memory_space<vmem>> -> memref<8192xf32, #tpu.memory_space<vmem>>
    %dma_wait3A_88 = tpu.memref_slice %arg2[%add3A_32] : memref<1048576xf32, #tpu.memory_space<hbm>> -> memref<8192xf32, #tpu.memory_space<hbm>>
    %dma_wait3A_89 = arith.constant 0 : i32
    %dma_wait3A_90 = tpu.memref_slice %arg5[%dma_wait3A_89] : memref<32768xf32, #tpu.memory_space<vmem>> -> memref<8192xf32, #tpu.memory_space<vmem>>
    %dma_wait3A_91 = tpu.memref_slice %arg2[%add3A_32] : memref<1048576xf32, #tpu.memory_space<hbm>> -> memref<8192xf32, #tpu.memory_space<hbm>>
    tpu.wait_dma2 semaphore(%arg8 : memref<!tpu.dma_semaphore, #tpu.memory_space<semaphore_mem>>) src(%dma_wait3A_91 : memref<8192xf32, #tpu.memory_space<hbm>>) dst(%dma_wait3A_90 : memref<8192xf32, #tpu.memory_space<vmem>>)
    %dma_wait3A_92 = arith.constant 8192 : i32
    %dma_wait3A_93 = tpu.memref_slice %arg5[%dma_wait3A_92] : memref<32768xf32, #tpu.memory_space<vmem>> -> memref<8192xf32, #tpu.memory_space<vmem>>
    %dma_wait3A_94 = tpu.memref_slice %arg2[%add3A_46] : memref<1048576xf32, #tpu.memory_space<hbm>> -> memref<8192xf32, #tpu.memory_space<hbm>>
    %dma_wait3A_95 = arith.constant 8192 : i32
    %dma_wait3A_96 = tpu.memref_slice %arg5[%dma_wait3A_95] : memref<32768xf32, #tpu.memory_space<vmem>> -> memref<8192xf32, #tpu.memory_space<vmem>>
    %dma_wait3A_97 = tpu.memref_slice %arg2[%add3A_46] : memref<1048576xf32, #tpu.memory_space<hbm>> -> memref<8192xf32, #tpu.memory_space<hbm>>
    tpu.wait_dma2 semaphore(%arg8 : memref<!tpu.dma_semaphore, #tpu.memory_space<semaphore_mem>>) src(%dma_wait3A_97 : memref<8192xf32, #tpu.memory_space<hbm>>) dst(%dma_wait3A_96 : memref<8192xf32, #tpu.memory_space<vmem>>)
    %dma_wait3A_98 = arith.constant 16384 : i32
    %dma_wait3A_99 = tpu.memref_slice %arg5[%dma_wait3A_98] : memref<32768xf32, #tpu.memory_space<vmem>> -> memref<8192xf32, #tpu.memory_space<vmem>>
    %dma_wait3A_100 = tpu.memref_slice %arg2[%add3A_61] : memref<1048576xf32, #tpu.memory_space<hbm>> -> memref<8192xf32, #tpu.memory_space<hbm>>
    %dma_wait3A_101 = arith.constant 16384 : i32
    %dma_wait3A_102 = tpu.memref_slice %arg5[%dma_wait3A_101] : memref<32768xf32, #tpu.memory_space<vmem>> -> memref<8192xf32, #tpu.memory_space<vmem>>
    %dma_wait3A_103 = tpu.memref_slice %arg2[%add3A_61] : memref<1048576xf32, #tpu.memory_space<hbm>> -> memref<8192xf32, #tpu.memory_space<hbm>>
    tpu.wait_dma2 semaphore(%arg8 : memref<!tpu.dma_semaphore, #tpu.memory_space<semaphore_mem>>) src(%dma_wait3A_103 : memref<8192xf32, #tpu.memory_space<hbm>>) dst(%dma_wait3A_102 : memref<8192xf32, #tpu.memory_space<vmem>>)
    %dma_wait3A_104 = arith.constant 24576 : i32
    %dma_wait3A_105 = tpu.memref_slice %arg5[%dma_wait3A_104] : memref<32768xf32, #tpu.memory_space<vmem>> -> memref<8192xf32, #tpu.memory_space<vmem>>
    %dma_wait3A_106 = tpu.memref_slice %arg2[%add3A_76] : memref<1048576xf32, #tpu.memory_space<hbm>> -> memref<8192xf32, #tpu.memory_space<hbm>>
    %dma_wait3A_107 = arith.constant 24576 : i32
    %dma_wait3A_108 = tpu.memref_slice %arg5[%dma_wait3A_107] : memref<32768xf32, #tpu.memory_space<vmem>> -> memref<8192xf32, #tpu.memory_space<vmem>>
    %dma_wait3A_109 = tpu.memref_slice %arg2[%add3A_76] : memref<1048576xf32, #tpu.memory_space<hbm>> -> memref<8192xf32, #tpu.memory_space<hbm>>
    tpu.wait_dma2 semaphore(%arg8 : memref<!tpu.dma_semaphore, #tpu.memory_space<semaphore_mem>>) src(%dma_wait3A_109 : memref<8192xf32, #tpu.memory_space<hbm>>) dst(%dma_wait3A_108 : memref<8192xf32, #tpu.memory_space<vmem>>)
    %scan3A = arith.constant 0 : i32
    %scan3A_110 = arith.constant 0 : i32
    %scan3A_111 = arith.constant 16 : i32
    %scan3A_112 = arith.addi %scan3A_110, %scan3A_111 : i32
    %scan3A_113 = arith.constant 1 : i32
    scf.for %scan3A_115 = %scan3A_110 to %scan3A_112 step %scan3A_113  : i32 {
      %mul3A_116 = arith.constant 4 : i32
      %mul3A_117 = arith.muli %scan3A_115, %mul3A_116 : i32
      %add3A_118 = arith.addi %mul3A_23, %mul3A_117 : i32
      %mul3A_119 = arith.constant 128 : i32
      %mul3A_120 = arith.muli %mul3A_117, %mul3A_119 : i32
      %shift_right_arithmetic3A = arith.constant 7 : i32
      %shift_right_arithmetic3A_121 = arith.shrsi %add3A_118, %shift_right_arithmetic3A : i32
      %mul3A_122 = arith.constant 8192 : i32
      %mul3A_123 = arith.muli %shift_right_arithmetic3A_121, %mul3A_122 : i32
      %and3A_124 = arith.constant 127 : i32
      %and3A_125 = arith.andi %add3A_118, %and3A_124 : i32
      %add3A_126 = arith.addi %mul3A_123, %and3A_125 : i32
      %add3A_127 = arith.addi %add3A_126, %mul3A_120 : i32
      %broadcast_in_dim3A = vector.broadcast %add3A_127 : i32 to vector<16xi32>
      %gather3A = tpu.vector_load_idx %arg5[%broadcast_in_dim3A] : memref<32768xf32, #tpu.memory_space<vmem>>[vector<16xi32>], vector<16xf32>,
      %broadcast_in_dim3A_128 = arith.constant 0.000000e+00 : f32
      %broadcast_in_dim3A_129 = vector.broadcast %broadcast_in_dim3A_128 : f32 to vector<16xf32>
      %mul3A_130 = arith.constant 112 : i32
      %mul3A_131 = arith.muli %mul3A_117, %mul3A_130 : i32
      %add3A_132 = arith.constant 0 : i32
      %add3A_133 = arith.addi %mul3A_131, %add3A_132 : i32
      %get3A = arith.index_cast %add3A_133 : i32 to index
      %get3A_134 = tpu.vector_load %arg6[%get3A] {strides = array<i32>} : memref<7168xi32, #tpu.memory_space<vmem>>, vector<16xi32>,
      %add3A_135 = vector.broadcast %mul3A_120 : i32 to vector<16xi32>
      %add3A_136 = arith.addi %get3A_134, %add3A_135 : vector<16xi32>
      %gather3A_137 = tpu.vector_load_idx %arg5[%add3A_136] : memref<32768xf32, #tpu.memory_space<vmem>>[vector<16xi32>], vector<16xf32>,
      %eq3A_138 = arith.cmpf oeq, %gather3A_137, %gather3A : vector<16xf32>
      %sub3A_139 = arith.subf %gather3A_137, %gather3A : vector<16xf32>
      %exp3A = math.exp %sub3A_139 : vector<16xf32>
      %jit3A_140 = arith.constant 0.000000e+00 : f32
      %broadcast_in_dim3A_141 = vector.broadcast %jit3A_140 : f32 to vector<16xf32>
      %select_n3A_142 = arith.select %eq3A_138, %broadcast_in_dim3A_141, %exp3A : vector<16xi1>, vector<16xf32>
      %add3A_143 = arith.addf %broadcast_in_dim3A_129, %select_n3A_142 : vector<16xf32>
      %mul3A_144 = arith.constant 112 : i32
      %mul3A_145 = arith.muli %mul3A_117, %mul3A_144 : i32
      %add3A_146 = arith.constant 16 : i32
      %add3A_147 = arith.addi %mul3A_145, %add3A_146 : i32
      %get3A_148 = arith.index_cast %add3A_147 : i32 to index
      %get3A_149 = tpu.vector_load %arg6[%get3A_148] {strides = array<i32>} : memref<7168xi32, #tpu.memory_space<vmem>>, vector<16xi32>,
      %add3A_150 = vector.broadcast %mul3A_120 : i32 to vector<16xi32>
      %add3A_151 = arith.addi %get3A_149, %add3A_150 : vector<16xi32>
      %gather3A_152 = tpu.vector_load_idx %arg5[%add3A_151] : memref<32768xf32, #tpu.memory_space<vmem>>[vector<16xi32>], vector<16xf32>,
      %eq3A_153 = arith.cmpf oeq, %gather3A_152, %gather3A : vector<16xf32>
      %sub3A_154 = arith.subf %gather3A_152, %gather3A : vector<16xf32>
      %exp3A_155 = math.exp %sub3A_154 : vector<16xf32>
      %jit3A_156 = arith.constant 0.000000e+00 : f32
      %broadcast_in_dim3A_157 = vector.broadcast %jit3A_156 : f32 to vector<16xf32>
      %select_n3A_158 = arith.select %eq3A_153, %broadcast_in_dim3A_157, %exp3A_155 : vector<16xi1>, vector<16xf32>
      %add3A_159 = arith.addf %add3A_143, %select_n3A_158 : vector<16xf32>
      %mul3A_160 = arith.constant 112 : i32
      %mul3A_161 = arith.muli %mul3A_117, %mul3A_160 : i32
      %add3A_162 = arith.constant 32 : i32
      %add3A_163 = arith.addi %mul3A_161, %add3A_162 : i32
      %get3A_164 = arith.index_cast %add3A_163 : i32 to index
      %get3A_165 = tpu.vector_load %arg6[%get3A_164] {strides = array<i32>} : memref<7168xi32, #tpu.memory_space<vmem>>, vector<16xi32>,
      %add3A_166 = vector.broadcast %mul3A_120 : i32 to vector<16xi32>
      %add3A_167 = arith.addi %get3A_165, %add3A_166 : vector<16xi32>
      %gather3A_168 = tpu.vector_load_idx %arg5[%add3A_167] : memref<32768xf32, #tpu.memory_space<vmem>>[vector<16xi32>], vector<16xf32>,
      %eq3A_169 = arith.cmpf oeq, %gather3A_168, %gather3A : vector<16xf32>
      %sub3A_170 = arith.subf %gather3A_168, %gather3A : vector<16xf32>
      %exp3A_171 = math.exp %sub3A_170 : vector<16xf32>
      %jit3A_172 = arith.constant 0.000000e+00 : f32
      %broadcast_in_dim3A_173 = vector.broadcast %jit3A_172 : f32 to vector<16xf32>
      %select_n3A_174 = arith.select %eq3A_169, %broadcast_in_dim3A_173, %exp3A_171 : vector<16xi1>, vector<16xf32>
      %add3A_175 = arith.addf %add3A_159, %select_n3A_174 : vector<16xf32>
      %mul3A_176 = arith.constant 112 : i32
      %mul3A_177 = arith.muli %mul3A_117, %mul3A_176 : i32
      %add3A_178 = arith.constant 48 : i32
      %add3A_179 = arith.addi %mul3A_177, %add3A_178 : i32
      %get3A_180 = arith.index_cast %add3A_179 : i32 to index
      %get3A_181 = tpu.vector_load %arg6[%get3A_180] {strides = array<i32>} : memref<7168xi32, #tpu.memory_space<vmem>>, vector<16xi32>,
      %add3A_182 = vector.broadcast %mul3A_120 : i32 to vector<16xi32>
      %add3A_183 = arith.addi %get3A_181, %add3A_182 : vector<16xi32>
      %gather3A_184 = tpu.vector_load_idx %arg5[%add3A_183] : memref<32768xf32, #tpu.memory_space<vmem>>[vector<16xi32>], vector<16xf32>,
      %eq3A_185 = arith.cmpf oeq, %gather3A_184, %gather3A : vector<16xf32>
      %sub3A_186 = arith.subf %gather3A_184, %gather3A : vector<16xf32>
      %exp3A_187 = math.exp %sub3A_186 : vector<16xf32>
      %jit3A_188 = arith.constant 0.000000e+00 : f32
      %broadcast_in_dim3A_189 = vector.broadcast %jit3A_188 : f32 to vector<16xf32>
      %select_n3A_190 = arith.select %eq3A_185, %broadcast_in_dim3A_189, %exp3A_187 : vector<16xi1>, vector<16xf32>
      %add3A_191 = arith.addf %add3A_175, %select_n3A_190 : vector<16xf32>
      %mul3A_192 = arith.constant 112 : i32
      %mul3A_193 = arith.muli %mul3A_117, %mul3A_192 : i32
      %add3A_194 = arith.constant 64 : i32
      %add3A_195 = arith.addi %mul3A_193, %add3A_194 : i32
      %get3A_196 = arith.index_cast %add3A_195 : i32 to index
      %get3A_197 = tpu.vector_load %arg6[%get3A_196] {strides = array<i32>} : memref<7168xi32, #tpu.memory_space<vmem>>, vector<16xi32>,
      %add3A_198 = vector.broadcast %mul3A_120 : i32 to vector<16xi32>
      %add3A_199 = arith.addi %get3A_197, %add3A_198 : vector<16xi32>
      %gather3A_200 = tpu.vector_load_idx %arg5[%add3A_199] : memref<32768xf32, #tpu.memory_space<vmem>>[vector<16xi32>], vector<16xf32>,
      %eq3A_201 = arith.cmpf oeq, %gather3A_200, %gather3A : vector<16xf32>
      %sub3A_202 = arith.subf %gather3A_200, %gather3A : vector<16xf32>
      %exp3A_203 = math.exp %sub3A_202 : vector<16xf32>
      %jit3A_204 = arith.constant 0.000000e+00 : f32
      %broadcast_in_dim3A_205 = vector.broadcast %jit3A_204 : f32 to vector<16xf32>
      %select_n3A_206 = arith.select %eq3A_201, %broadcast_in_dim3A_205, %exp3A_203 : vector<16xi1>, vector<16xf32>
      %add3A_207 = arith.addf %add3A_191, %select_n3A_206 : vector<16xf32>
      %mul3A_208 = arith.constant 112 : i32
      %mul3A_209 = arith.muli %mul3A_117, %mul3A_208 : i32
      %add3A_210 = arith.constant 80 : i32
      %add3A_211 = arith.addi %mul3A_209, %add3A_210 : i32
      %get3A_212 = arith.index_cast %add3A_211 : i32 to index
      %get3A_213 = tpu.vector_load %arg6[%get3A_212] {strides = array<i32>} : memref<7168xi32, #tpu.memory_space<vmem>>, vector<16xi32>,
      %add3A_214 = vector.broadcast %mul3A_120 : i32 to vector<16xi32>
      %add3A_215 = arith.addi %get3A_213, %add3A_214 : vector<16xi32>
      %gather3A_216 = tpu.vector_load_idx %arg5[%add3A_215] : memref<32768xf32, #tpu.memory_space<vmem>>[vector<16xi32>], vector<16xf32>,
      %eq3A_217 = arith.cmpf oeq, %gather3A_216, %gather3A : vector<16xf32>
      %sub3A_218 = arith.subf %gather3A_216, %gather3A : vector<16xf32>
      %exp3A_219 = math.exp %sub3A_218 : vector<16xf32>
      %jit3A_220 = arith.constant 0.000000e+00 : f32
      %broadcast_in_dim3A_221 = vector.broadcast %jit3A_220 : f32 to vector<16xf32>
      %select_n3A_222 = arith.select %eq3A_217, %broadcast_in_dim3A_221, %exp3A_219 : vector<16xi1>, vector<16xf32>
      %add3A_223 = arith.addf %add3A_207, %select_n3A_222 : vector<16xf32>
      %mul3A_224 = arith.constant 112 : i32
      %mul3A_225 = arith.muli %mul3A_117, %mul3A_224 : i32
      %add3A_226 = arith.constant 96 : i32
      %add3A_227 = arith.addi %mul3A_225, %add3A_226 : i32
      %get3A_228 = arith.index_cast %add3A_227 : i32 to index
      %get3A_229 = tpu.vector_load %arg6[%get3A_228] {strides = array<i32>} : memref<7168xi32, #tpu.memory_space<vmem>>, vector<16xi32>,
      %add3A_230 = vector.broadcast %mul3A_120 : i32 to vector<16xi32>
      %add3A_231 = arith.addi %get3A_229, %add3A_230 : vector<16xi32>
      %gather3A_232 = tpu.vector_load_idx %arg5[%add3A_231] : memref<32768xf32, #tpu.memory_space<vmem>>[vector<16xi32>], vector<16xf32>,
      %eq3A_233 = arith.cmpf oeq, %gather3A_232, %gather3A : vector<16xf32>
      %sub3A_234 = arith.subf %gather3A_232, %gather3A : vector<16xf32>
      %exp3A_235 = math.exp %sub3A_234 : vector<16xf32>
      %jit3A_236 = arith.constant 0.000000e+00 : f32
      %broadcast_in_dim3A_237 = vector.broadcast %jit3A_236 : f32 to vector<16xf32>
      %select_n3A_238 = arith.select %eq3A_233, %broadcast_in_dim3A_237, %exp3A_235 : vector<16xi1>, vector<16xf32>
      %add3A_239 = arith.addf %add3A_223, %select_n3A_238 : vector<16xf32>
      %reduce_sum3A = arith.constant true
      %reduce_sum3A_240 = vector.broadcast %reduce_sum3A : i1 to vector<16xi1>
      %reduce_sum3A_241 = tpu.scan <sum>, %add3A_239 masked %reduce_sum3A_240 : vector<16xf32>, vector<16xi1> -> vector<16xf32>
      %reduce_sum3A_242 = vector.extract %reduce_sum3A_241[15] : f32 from vector<16xf32>
      %add3A_243 = arith.constant 1.000000e+00 : f32
      %add3A_244 = arith.addf %add3A_243, %reduce_sum3A_242 : f32
      %add3A_245 = arith.constant 1 : i32
      %add3A_246 = arith.addi %mul3A_117, %add3A_245 : i32
      %add3A_247 = arith.addi %mul3A_23, %add3A_246 : i32
      %mul3A_248 = arith.constant 128 : i32
      %mul3A_249 = arith.muli %add3A_246, %mul3A_248 : i32
      %shift_right_arithmetic3A_250 = arith.constant 7 : i32
      %shift_right_arithmetic3A_251 = arith.shrsi %add3A_247, %shift_right_arithmetic3A_250 : i32
      %mul3A_252 = arith.constant 8192 : i32
      %mul3A_253 = arith.muli %shift_right_arithmetic3A_251, %mul3A_252 : i32
      %and3A_254 = arith.constant 127 : i32
      %and3A_255 = arith.andi %add3A_247, %and3A_254 : i32
      %add3A_256 = arith.addi %mul3A_253, %and3A_255 : i32
      %add3A_257 = arith.addi %add3A_256, %mul3A_249 : i32
      %broadcast_in_dim3A_258 = vector.broadcast %add3A_257 : i32 to vector<16xi32>
      %gather3A_259 = tpu.vector_load_idx %arg5[%broadcast_in_dim3A_258] : memref<32768xf32, #tpu.memory_space<vmem>>[vector<16xi32>], vector<16xf32>,
      %broadcast_in_dim3A_260 = arith.constant 0.000000e+00 : f32
      %broadcast_in_dim3A_261 = vector.broadcast %broadcast_in_dim3A_260 : f32 to vector<16xf32>
      %mul3A_262 = arith.constant 112 : i32
      %mul3A_263 = arith.muli %add3A_246, %mul3A_262 : i32
      %add3A_264 = arith.constant 0 : i32
      %add3A_265 = arith.addi %mul3A_263, %add3A_264 : i32
      %get3A_266 = arith.index_cast %add3A_265 : i32 to index
      %get3A_267 = tpu.vector_load %arg6[%get3A_266] {strides = array<i32>} : memref<7168xi32, #tpu.memory_space<vmem>>, vector<16xi32>,
      %add3A_268 = vector.broadcast %mul3A_249 : i32 to vector<16xi32>
      %add3A_269 = arith.addi %get3A_267, %add3A_268 : vector<16xi32>
      %gather3A_270 = tpu.vector_load_idx %arg5[%add3A_269] : memref<32768xf32, #tpu.memory_space<vmem>>[vector<16xi32>], vector<16xf32>,
      %eq3A_271 = arith.cmpf oeq, %gather3A_270, %gather3A_259 : vector<16xf32>
      %sub3A_272 = arith.subf %gather3A_270, %gather3A_259 : vector<16xf32>
      %exp3A_273 = math.exp %sub3A_272 : vector<16xf32>
      %jit3A_274 = arith.constant 0.000000e+00 : f32
      %broadcast_in_dim3A_275 = vector.broadcast %jit3A_274 : f32 to vector<16xf32>
      %select_n3A_276 = arith.select %eq3A_271, %broadcast_in_dim3A_275, %exp3A_273 : vector<16xi1>, vector<16xf32>
      %add3A_277 = arith.addf %broadcast_in_dim3A_261, %select_n3A_276 : vector<16xf32>
      %mul3A_278 = arith.constant 112 : i32
      %mul3A_279 = arith.muli %add3A_246, %mul3A_278 : i32
      %add3A_280 = arith.constant 16 : i32
      %add3A_281 = arith.addi %mul3A_279, %add3A_280 : i32
      %get3A_282 = arith.index_cast %add3A_281 : i32 to index
      %get3A_283 = tpu.vector_load %arg6[%get3A_282] {strides = array<i32>} : memref<7168xi32, #tpu.memory_space<vmem>>, vector<16xi32>,
      %add3A_284 = vector.broadcast %mul3A_249 : i32 to vector<16xi32>
      %add3A_285 = arith.addi %get3A_283, %add3A_284 : vector<16xi32>
      %gather3A_286 = tpu.vector_load_idx %arg5[%add3A_285] : memref<32768xf32, #tpu.memory_space<vmem>>[vector<16xi32>], vector<16xf32>,
      %eq3A_287 = arith.cmpf oeq, %gather3A_286, %gather3A_259 : vector<16xf32>
      %sub3A_288 = arith.subf %gather3A_286, %gather3A_259 : vector<16xf32>
      %exp3A_289 = math.exp %sub3A_288 : vector<16xf32>
      %jit3A_290 = arith.constant 0.000000e+00 : f32
      %broadcast_in_dim3A_291 = vector.broadcast %jit3A_290 : f32 to vector<16xf32>
      %select_n3A_292 = arith.select %eq3A_287, %broadcast_in_dim3A_291, %exp3A_289 : vector<16xi1>, vector<16xf32>
      %add3A_293 = arith.addf %add3A_277, %select_n3A_292 : vector<16xf32>
      %mul3A_294 = arith.constant 112 : i32
      %mul3A_295 = arith.muli %add3A_246, %mul3A_294 : i32
      %add3A_296 = arith.constant 32 : i32
      %add3A_297 = arith.addi %mul3A_295, %add3A_296 : i32
      %get3A_298 = arith.index_cast %add3A_297 : i32 to index
      %get3A_299 = tpu.vector_load %arg6[%get3A_298] {strides = array<i32>} : memref<7168xi32, #tpu.memory_space<vmem>>, vector<16xi32>,
      %add3A_300 = vector.broadcast %mul3A_249 : i32 to vector<16xi32>
      %add3A_301 = arith.addi %get3A_299, %add3A_300 : vector<16xi32>
      %gather3A_302 = tpu.vector_load_idx %arg5[%add3A_301] : memref<32768xf32, #tpu.memory_space<vmem>>[vector<16xi32>], vector<16xf32>,
      %eq3A_303 = arith.cmpf oeq, %gather3A_302, %gather3A_259 : vector<16xf32>
      %sub3A_304 = arith.subf %gather3A_302, %gather3A_259 : vector<16xf32>
      %exp3A_305 = math.exp %sub3A_304 : vector<16xf32>
      %jit3A_306 = arith.constant 0.000000e+00 : f32
      %broadcast_in_dim3A_307 = vector.broadcast %jit3A_306 : f32 to vector<16xf32>
      %select_n3A_308 = arith.select %eq3A_303, %broadcast_in_dim3A_307, %exp3A_305 : vector<16xi1>, vector<16xf32>
      %add3A_309 = arith.addf %add3A_293, %select_n3A_308 : vector<16xf32>
      %mul3A_310 = arith.constant 112 : i32
      %mul3A_311 = arith.muli %add3A_246, %mul3A_310 : i32
      %add3A_312 = arith.constant 48 : i32
      %add3A_313 = arith.addi %mul3A_311, %add3A_312 : i32
      %get3A_314 = arith.index_cast %add3A_313 : i32 to index
      %get3A_315 = tpu.vector_load %arg6[%get3A_314] {strides = array<i32>} : memref<7168xi32, #tpu.memory_space<vmem>>, vector<16xi32>,
      %add3A_316 = vector.broadcast %mul3A_249 : i32 to vector<16xi32>
      %add3A_317 = arith.addi %get3A_315, %add3A_316 : vector<16xi32>
      %gather3A_318 = tpu.vector_load_idx %arg5[%add3A_317] : memref<32768xf32, #tpu.memory_space<vmem>>[vector<16xi32>], vector<16xf32>,
      %eq3A_319 = arith.cmpf oeq, %gather3A_318, %gather3A_259 : vector<16xf32>
      %sub3A_320 = arith.subf %gather3A_318, %gather3A_259 : vector<16xf32>
      %exp3A_321 = math.exp %sub3A_320 : vector<16xf32>
      %jit3A_322 = arith.constant 0.000000e+00 : f32
      %broadcast_in_dim3A_323 = vector.broadcast %jit3A_322 : f32 to vector<16xf32>
      %select_n3A_324 = arith.select %eq3A_319, %broadcast_in_dim3A_323, %exp3A_321 : vector<16xi1>, vector<16xf32>
      %add3A_325 = arith.addf %add3A_309, %select_n3A_324 : vector<16xf32>
      %mul3A_326 = arith.constant 112 : i32
      %mul3A_327 = arith.muli %add3A_246, %mul3A_326 : i32
      %add3A_328 = arith.constant 64 : i32
      %add3A_329 = arith.addi %mul3A_327, %add3A_328 : i32
      %get3A_330 = arith.index_cast %add3A_329 : i32 to index
      %get3A_331 = tpu.vector_load %arg6[%get3A_330] {strides = array<i32>} : memref<7168xi32, #tpu.memory_space<vmem>>, vector<16xi32>,
      %add3A_332 = vector.broadcast %mul3A_249 : i32 to vector<16xi32>
      %add3A_333 = arith.addi %get3A_331, %add3A_332 : vector<16xi32>
      %gather3A_334 = tpu.vector_load_idx %arg5[%add3A_333] : memref<32768xf32, #tpu.memory_space<vmem>>[vector<16xi32>], vector<16xf32>,
      %eq3A_335 = arith.cmpf oeq, %gather3A_334, %gather3A_259 : vector<16xf32>
      %sub3A_336 = arith.subf %gather3A_334, %gather3A_259 : vector<16xf32>
      %exp3A_337 = math.exp %sub3A_336 : vector<16xf32>
      %jit3A_338 = arith.constant 0.000000e+00 : f32
      %broadcast_in_dim3A_339 = vector.broadcast %jit3A_338 : f32 to vector<16xf32>
      %select_n3A_340 = arith.select %eq3A_335, %broadcast_in_dim3A_339, %exp3A_337 : vector<16xi1>, vector<16xf32>
      %add3A_341 = arith.addf %add3A_325, %select_n3A_340 : vector<16xf32>
      %mul3A_342 = arith.constant 112 : i32
      %mul3A_343 = arith.muli %add3A_246, %mul3A_342 : i32
      %add3A_344 = arith.constant 80 : i32
      %add3A_345 = arith.addi %mul3A_343, %add3A_344 : i32
      %get3A_346 = arith.index_cast %add3A_345 : i32 to index
      %get3A_347 = tpu.vector_load %arg6[%get3A_346] {strides = array<i32>} : memref<7168xi32, #tpu.memory_space<vmem>>, vector<16xi32>,
      %add3A_348 = vector.broadcast %mul3A_249 : i32 to vector<16xi32>
      %add3A_349 = arith.addi %get3A_347, %add3A_348 : vector<16xi32>
      %gather3A_350 = tpu.vector_load_idx %arg5[%add3A_349] : memref<32768xf32, #tpu.memory_space<vmem>>[vector<16xi32>], vector<16xf32>,
      %eq3A_351 = arith.cmpf oeq, %gather3A_350, %gather3A_259 : vector<16xf32>
      %sub3A_352 = arith.subf %gather3A_350, %gather3A_259 : vector<16xf32>
      %exp3A_353 = math.exp %sub3A_352 : vector<16xf32>
      %jit3A_354 = arith.constant 0.000000e+00 : f32
      %broadcast_in_dim3A_355 = vector.broadcast %jit3A_354 : f32 to vector<16xf32>
      %select_n3A_356 = arith.select %eq3A_351, %broadcast_in_dim3A_355, %exp3A_353 : vector<16xi1>, vector<16xf32>
      %add3A_357 = arith.addf %add3A_341, %select_n3A_356 : vector<16xf32>
      %mul3A_358 = arith.constant 112 : i32
      %mul3A_359 = arith.muli %add3A_246, %mul3A_358 : i32
      %add3A_360 = arith.constant 96 : i32
      %add3A_361 = arith.addi %mul3A_359, %add3A_360 : i32
      %get3A_362 = arith.index_cast %add3A_361 : i32 to index
      %get3A_363 = tpu.vector_load %arg6[%get3A_362] {strides = array<i32>} : memref<7168xi32, #tpu.memory_space<vmem>>, vector<16xi32>,
      %add3A_364 = vector.broadcast %mul3A_249 : i32 to vector<16xi32>
      %add3A_365 = arith.addi %get3A_363, %add3A_364 : vector<16xi32>
      %gather3A_366 = tpu.vector_load_idx %arg5[%add3A_365] : memref<32768xf32, #tpu.memory_space<vmem>>[vector<16xi32>], vector<16xf32>,
      %eq3A_367 = arith.cmpf oeq, %gather3A_366, %gather3A_259 : vector<16xf32>
      %sub3A_368 = arith.subf %gather3A_366, %gather3A_259 : vector<16xf32>
      %exp3A_369 = math.exp %sub3A_368 : vector<16xf32>
      %jit3A_370 = arith.constant 0.000000e+00 : f32
      %broadcast_in_dim3A_371 = vector.broadcast %jit3A_370 : f32 to vector<16xf32>
      %select_n3A_372 = arith.select %eq3A_367, %broadcast_in_dim3A_371, %exp3A_369 : vector<16xi1>, vector<16xf32>
      %add3A_373 = arith.addf %add3A_357, %select_n3A_372 : vector<16xf32>
      %reduce_sum3A_374 = arith.constant true
      %reduce_sum3A_375 = vector.broadcast %reduce_sum3A_374 : i1 to vector<16xi1>
      %reduce_sum3A_376 = tpu.scan <sum>, %add3A_373 masked %reduce_sum3A_375 : vector<16xf32>, vector<16xi1> -> vector<16xf32>
      %reduce_sum3A_377 = vector.extract %reduce_sum3A_376[15] : f32 from vector<16xf32>
      %add3A_378 = arith.constant 1.000000e+00 : f32
      %add3A_379 = arith.addf %add3A_378, %reduce_sum3A_377 : f32
      %add3A_380 = arith.constant 2 : i32
      %add3A_381 = arith.addi %mul3A_117, %add3A_380 : i32
      %add3A_382 = arith.addi %mul3A_23, %add3A_381 : i32
      %mul3A_383 = arith.constant 128 : i32
      %mul3A_384 = arith.muli %add3A_381, %mul3A_383 : i32
      %shift_right_arithmetic3A_385 = arith.constant 7 : i32
      %shift_right_arithmetic3A_386 = arith.shrsi %add3A_382, %shift_right_arithmetic3A_385 : i32
      %mul3A_387 = arith.constant 8192 : i32
      %mul3A_388 = arith.muli %shift_right_arithmetic3A_386, %mul3A_387 : i32
      %and3A_389 = arith.constant 127 : i32
      %and3A_390 = arith.andi %add3A_382, %and3A_389 : i32
      %add3A_391 = arith.addi %mul3A_388, %and3A_390 : i32
      %add3A_392 = arith.addi %add3A_391, %mul3A_384 : i32
      %broadcast_in_dim3A_393 = vector.broadcast %add3A_392 : i32 to vector<16xi32>
      %gather3A_394 = tpu.vector_load_idx %arg5[%broadcast_in_dim3A_393] : memref<32768xf32, #tpu.memory_space<vmem>>[vector<16xi32>], vector<16xf32>,
      %broadcast_in_dim3A_395 = arith.constant 0.000000e+00 : f32
      %broadcast_in_dim3A_396 = vector.broadcast %broadcast_in_dim3A_395 : f32 to vector<16xf32>
      %mul3A_397 = arith.constant 112 : i32
      %mul3A_398 = arith.muli %add3A_381, %mul3A_397 : i32
      %add3A_399 = arith.constant 0 : i32
      %add3A_400 = arith.addi %mul3A_398, %add3A_399 : i32
      %get3A_401 = arith.index_cast %add3A_400 : i32 to index
      %get3A_402 = tpu.vector_load %arg6[%get3A_401] {strides = array<i32>} : memref<7168xi32, #tpu.memory_space<vmem>>, vector<16xi32>,
      %add3A_403 = vector.broadcast %mul3A_384 : i32 to vector<16xi32>
      %add3A_404 = arith.addi %get3A_402, %add3A_403 : vector<16xi32>
      %gather3A_405 = tpu.vector_load_idx %arg5[%add3A_404] : memref<32768xf32, #tpu.memory_space<vmem>>[vector<16xi32>], vector<16xf32>,
      %eq3A_406 = arith.cmpf oeq, %gather3A_405, %gather3A_394 : vector<16xf32>
      %sub3A_407 = arith.subf %gather3A_405, %gather3A_394 : vector<16xf32>
      %exp3A_408 = math.exp %sub3A_407 : vector<16xf32>
      %jit3A_409 = arith.constant 0.000000e+00 : f32
      %broadcast_in_dim3A_410 = vector.broadcast %jit3A_409 : f32 to vector<16xf32>
      %select_n3A_411 = arith.select %eq3A_406, %broadcast_in_dim3A_410, %exp3A_408 : vector<16xi1>, vector<16xf32>
      %add3A_412 = arith.addf %broadcast_in_dim3A_396, %select_n3A_411 : vector<16xf32>
      %mul3A_413 = arith.constant 112 : i32
      %mul3A_414 = arith.muli %add3A_381, %mul3A_413 : i32
      %add3A_415 = arith.constant 16 : i32
      %add3A_416 = arith.addi %mul3A_414, %add3A_415 : i32
      %get3A_417 = arith.index_cast %add3A_416 : i32 to index
      %get3A_418 = tpu.vector_load %arg6[%get3A_417] {strides = array<i32>} : memref<7168xi32, #tpu.memory_space<vmem>>, vector<16xi32>,
      %add3A_419 = vector.broadcast %mul3A_384 : i32 to vector<16xi32>
      %add3A_420 = arith.addi %get3A_418, %add3A_419 : vector<16xi32>
      %gather3A_421 = tpu.vector_load_idx %arg5[%add3A_420] : memref<32768xf32, #tpu.memory_space<vmem>>[vector<16xi32>], vector<16xf32>,
      %eq3A_422 = arith.cmpf oeq, %gather3A_421, %gather3A_394 : vector<16xf32>
      %sub3A_423 = arith.subf %gather3A_421, %gather3A_394 : vector<16xf32>
      %exp3A_424 = math.exp %sub3A_423 : vector<16xf32>
      %jit3A_425 = arith.constant 0.000000e+00 : f32
      %broadcast_in_dim3A_426 = vector.broadcast %jit3A_425 : f32 to vector<16xf32>
      %select_n3A_427 = arith.select %eq3A_422, %broadcast_in_dim3A_426, %exp3A_424 : vector<16xi1>, vector<16xf32>
      %add3A_428 = arith.addf %add3A_412, %select_n3A_427 : vector<16xf32>
      %mul3A_429 = arith.constant 112 : i32
      %mul3A_430 = arith.muli %add3A_381, %mul3A_429 : i32
      %add3A_431 = arith.constant 32 : i32
      %add3A_432 = arith.addi %mul3A_430, %add3A_431 : i32
      %get3A_433 = arith.index_cast %add3A_432 : i32 to index
      %get3A_434 = tpu.vector_load %arg6[%get3A_433] {strides = array<i32>} : memref<7168xi32, #tpu.memory_space<vmem>>, vector<16xi32>,
      %add3A_435 = vector.broadcast %mul3A_384 : i32 to vector<16xi32>
      %add3A_436 = arith.addi %get3A_434, %add3A_435 : vector<16xi32>
      %gather3A_437 = tpu.vector_load_idx %arg5[%add3A_436] : memref<32768xf32, #tpu.memory_space<vmem>>[vector<16xi32>], vector<16xf32>,
      %eq3A_438 = arith.cmpf oeq, %gather3A_437, %gather3A_394 : vector<16xf32>
      %sub3A_439 = arith.subf %gather3A_437, %gather3A_394 : vector<16xf32>
      %exp3A_440 = math.exp %sub3A_439 : vector<16xf32>
      %jit3A_441 = arith.constant 0.000000e+00 : f32
      %broadcast_in_dim3A_442 = vector.broadcast %jit3A_441 : f32 to vector<16xf32>
      %select_n3A_443 = arith.select %eq3A_438, %broadcast_in_dim3A_442, %exp3A_440 : vector<16xi1>, vector<16xf32>
      %add3A_444 = arith.addf %add3A_428, %select_n3A_443 : vector<16xf32>
      %mul3A_445 = arith.constant 112 : i32
      %mul3A_446 = arith.muli %add3A_381, %mul3A_445 : i32
      %add3A_447 = arith.constant 48 : i32
      %add3A_448 = arith.addi %mul3A_446, %add3A_447 : i32
      %get3A_449 = arith.index_cast %add3A_448 : i32 to index
      %get3A_450 = tpu.vector_load %arg6[%get3A_449] {strides = array<i32>} : memref<7168xi32, #tpu.memory_space<vmem>>, vector<16xi32>,
      %add3A_451 = vector.broadcast %mul3A_384 : i32 to vector<16xi32>
      %add3A_452 = arith.addi %get3A_450, %add3A_451 : vector<16xi32>
      %gather3A_453 = tpu.vector_load_idx %arg5[%add3A_452] : memref<32768xf32, #tpu.memory_space<vmem>>[vector<16xi32>], vector<16xf32>,
      %eq3A_454 = arith.cmpf oeq, %gather3A_453, %gather3A_394 : vector<16xf32>
      %sub3A_455 = arith.subf %gather3A_453, %gather3A_394 : vector<16xf32>
      %exp3A_456 = math.exp %sub3A_455 : vector<16xf32>
      %jit3A_457 = arith.constant 0.000000e+00 : f32
      %broadcast_in_dim3A_458 = vector.broadcast %jit3A_457 : f32 to vector<16xf32>
      %select_n3A_459 = arith.select %eq3A_454, %broadcast_in_dim3A_458, %exp3A_456 : vector<16xi1>, vector<16xf32>
      %add3A_460 = arith.addf %add3A_444, %select_n3A_459 : vector<16xf32>
      %mul3A_461 = arith.constant 112 : i32
      %mul3A_462 = arith.muli %add3A_381, %mul3A_461 : i32
      %add3A_463 = arith.constant 64 : i32
      %add3A_464 = arith.addi %mul3A_462, %add3A_463 : i32
      %get3A_465 = arith.index_cast %add3A_464 : i32 to index
      %get3A_466 = tpu.vector_load %arg6[%get3A_465] {strides = array<i32>} : memref<7168xi32, #tpu.memory_space<vmem>>, vector<16xi32>,
      %add3A_467 = vector.broadcast %mul3A_384 : i32 to vector<16xi32>
      %add3A_468 = arith.addi %get3A_466, %add3A_467 : vector<16xi32>
      %gather3A_469 = tpu.vector_load_idx %arg5[%add3A_468] : memref<32768xf32, #tpu.memory_space<vmem>>[vector<16xi32>], vector<16xf32>,
      %eq3A_470 = arith.cmpf oeq, %gather3A_469, %gather3A_394 : vector<16xf32>
      %sub3A_471 = arith.subf %gather3A_469, %gather3A_394 : vector<16xf32>
      %exp3A_472 = math.exp %sub3A_471 : vector<16xf32>
      %jit3A_473 = arith.constant 0.000000e+00 : f32
      %broadcast_in_dim3A_474 = vector.broadcast %jit3A_473 : f32 to vector<16xf32>
      %select_n3A_475 = arith.select %eq3A_470, %broadcast_in_dim3A_474, %exp3A_472 : vector<16xi1>, vector<16xf32>
      %add3A_476 = arith.addf %add3A_460, %select_n3A_475 : vector<16xf32>
      %mul3A_477 = arith.constant 112 : i32
      %mul3A_478 = arith.muli %add3A_381, %mul3A_477 : i32
      %add3A_479 = arith.constant 80 : i32
      %add3A_480 = arith.addi %mul3A_478, %add3A_479 : i32
      %get3A_481 = arith.index_cast %add3A_480 : i32 to index
      %get3A_482 = tpu.vector_load %arg6[%get3A_481] {strides = array<i32>} : memref<7168xi32, #tpu.memory_space<vmem>>, vector<16xi32>,
      %add3A_483 = vector.broadcast %mul3A_384 : i32 to vector<16xi32>
      %add3A_484 = arith.addi %get3A_482, %add3A_483 : vector<16xi32>
      %gather3A_485 = tpu.vector_load_idx %arg5[%add3A_484] : memref<32768xf32, #tpu.memory_space<vmem>>[vector<16xi32>], vector<16xf32>,
      %eq3A_486 = arith.cmpf oeq, %gather3A_485, %gather3A_394 : vector<16xf32>
      %sub3A_487 = arith.subf %gather3A_485, %gather3A_394 : vector<16xf32>
      %exp3A_488 = math.exp %sub3A_487 : vector<16xf32>
      %jit3A_489 = arith.constant 0.000000e+00 : f32
      %broadcast_in_dim3A_490 = vector.broadcast %jit3A_489 : f32 to vector<16xf32>
      %select_n3A_491 = arith.select %eq3A_486, %broadcast_in_dim3A_490, %exp3A_488 : vector<16xi1>, vector<16xf32>
      %add3A_492 = arith.addf %add3A_476, %select_n3A_491 : vector<16xf32>
      %mul3A_493 = arith.constant 112 : i32
      %mul3A_494 = arith.muli %add3A_381, %mul3A_493 : i32
      %add3A_495 = arith.constant 96 : i32
      %add3A_496 = arith.addi %mul3A_494, %add3A_495 : i32
      %get3A_497 = arith.index_cast %add3A_496 : i32 to index
      %get3A_498 = tpu.vector_load %arg6[%get3A_497] {strides = array<i32>} : memref<7168xi32, #tpu.memory_space<vmem>>, vector<16xi32>,
      %add3A_499 = vector.broadcast %mul3A_384 : i32 to vector<16xi32>
      %add3A_500 = arith.addi %get3A_498, %add3A_499 : vector<16xi32>
      %gather3A_501 = tpu.vector_load_idx %arg5[%add3A_500] : memref<32768xf32, #tpu.memory_space<vmem>>[vector<16xi32>], vector<16xf32>,
      %eq3A_502 = arith.cmpf oeq, %gather3A_501, %gather3A_394 : vector<16xf32>
      %sub3A_503 = arith.subf %gather3A_501, %gather3A_394 : vector<16xf32>
      %exp3A_504 = math.exp %sub3A_503 : vector<16xf32>
      %jit3A_505 = arith.constant 0.000000e+00 : f32
      %broadcast_in_dim3A_506 = vector.broadcast %jit3A_505 : f32 to vector<16xf32>
      %select_n3A_507 = arith.select %eq3A_502, %broadcast_in_dim3A_506, %exp3A_504 : vector<16xi1>, vector<16xf32>
      %add3A_508 = arith.addf %add3A_492, %select_n3A_507 : vector<16xf32>
      %reduce_sum3A_509 = arith.constant true
      %reduce_sum3A_510 = vector.broadcast %reduce_sum3A_509 : i1 to vector<16xi1>
      %reduce_sum3A_511 = tpu.scan <sum>, %add3A_508 masked %reduce_sum3A_510 : vector<16xf32>, vector<16xi1> -> vector<16xf32>
      %reduce_sum3A_512 = vector.extract %reduce_sum3A_511[15] : f32 from vector<16xf32>
      %add3A_513 = arith.constant 1.000000e+00 : f32
      %add3A_514 = arith.addf %add3A_513, %reduce_sum3A_512 : f32
      %add3A_515 = arith.constant 3 : i32
      %add3A_516 = arith.addi %mul3A_117, %add3A_515 : i32
      %add3A_517 = arith.addi %mul3A_23, %add3A_516 : i32
      %mul3A_518 = arith.constant 128 : i32
      %mul3A_519 = arith.muli %add3A_516, %mul3A_518 : i32
      %shift_right_arithmetic3A_520 = arith.constant 7 : i32
      %shift_right_arithmetic3A_521 = arith.shrsi %add3A_517, %shift_right_arithmetic3A_520 : i32
      %mul3A_522 = arith.constant 8192 : i32
      %mul3A_523 = arith.muli %shift_right_arithmetic3A_521, %mul3A_522 : i32
      %and3A_524 = arith.constant 127 : i32
      %and3A_525 = arith.andi %add3A_517, %and3A_524 : i32
      %add3A_526 = arith.addi %mul3A_523, %and3A_525 : i32
      %add3A_527 = arith.addi %add3A_526, %mul3A_519 : i32
      %broadcast_in_dim3A_528 = vector.broadcast %add3A_527 : i32 to vector<16xi32>
      %gather3A_529 = tpu.vector_load_idx %arg5[%broadcast_in_dim3A_528] : memref<32768xf32, #tpu.memory_space<vmem>>[vector<16xi32>], vector<16xf32>,
      %broadcast_in_dim3A_530 = arith.constant 0.000000e+00 : f32
      %broadcast_in_dim3A_531 = vector.broadcast %broadcast_in_dim3A_530 : f32 to vector<16xf32>
      %mul3A_532 = arith.constant 112 : i32
      %mul3A_533 = arith.muli %add3A_516, %mul3A_532 : i32
      %add3A_534 = arith.constant 0 : i32
      %add3A_535 = arith.addi %mul3A_533, %add3A_534 : i32
      %get3A_536 = arith.index_cast %add3A_535 : i32 to index
      %get3A_537 = tpu.vector_load %arg6[%get3A_536] {strides = array<i32>} : memref<7168xi32, #tpu.memory_space<vmem>>, vector<16xi32>,
      %add3A_538 = vector.broadcast %mul3A_519 : i32 to vector<16xi32>
      %add3A_539 = arith.addi %get3A_537, %add3A_538 : vector<16xi32>
      %gather3A_540 = tpu.vector_load_idx %arg5[%add3A_539] : memref<32768xf32, #tpu.memory_space<vmem>>[vector<16xi32>], vector<16xf32>,
      %eq3A_541 = arith.cmpf oeq, %gather3A_540, %gather3A_529 : vector<16xf32>
      %sub3A_542 = arith.subf %gather3A_540, %gather3A_529 : vector<16xf32>
      %exp3A_543 = math.exp %sub3A_542 : vector<16xf32>
      %jit3A_544 = arith.constant 0.000000e+00 : f32
      %broadcast_in_dim3A_545 = vector.broadcast %jit3A_544 : f32 to vector<16xf32>
      %select_n3A_546 = arith.select %eq3A_541, %broadcast_in_dim3A_545, %exp3A_543 : vector<16xi1>, vector<16xf32>
      %add3A_547 = arith.addf %broadcast_in_dim3A_531, %select_n3A_546 : vector<16xf32>
      %mul3A_548 = arith.constant 112 : i32
      %mul3A_549 = arith.muli %add3A_516, %mul3A_548 : i32
      %add3A_550 = arith.constant 16 : i32
      %add3A_551 = arith.addi %mul3A_549, %add3A_550 : i32
      %get3A_552 = arith.index_cast %add3A_551 : i32 to index
      %get3A_553 = tpu.vector_load %arg6[%get3A_552] {strides = array<i32>} : memref<7168xi32, #tpu.memory_space<vmem>>, vector<16xi32>,
      %add3A_554 = vector.broadcast %mul3A_519 : i32 to vector<16xi32>
      %add3A_555 = arith.addi %get3A_553, %add3A_554 : vector<16xi32>
      %gather3A_556 = tpu.vector_load_idx %arg5[%add3A_555] : memref<32768xf32, #tpu.memory_space<vmem>>[vector<16xi32>], vector<16xf32>,
      %eq3A_557 = arith.cmpf oeq, %gather3A_556, %gather3A_529 : vector<16xf32>
      %sub3A_558 = arith.subf %gather3A_556, %gather3A_529 : vector<16xf32>
      %exp3A_559 = math.exp %sub3A_558 : vector<16xf32>
      %jit3A_560 = arith.constant 0.000000e+00 : f32
      %broadcast_in_dim3A_561 = vector.broadcast %jit3A_560 : f32 to vector<16xf32>
      %select_n3A_562 = arith.select %eq3A_557, %broadcast_in_dim3A_561, %exp3A_559 : vector<16xi1>, vector<16xf32>
      %add3A_563 = arith.addf %add3A_547, %select_n3A_562 : vector<16xf32>
      %mul3A_564 = arith.constant 112 : i32
      %mul3A_565 = arith.muli %add3A_516, %mul3A_564 : i32
      %add3A_566 = arith.constant 32 : i32
      %add3A_567 = arith.addi %mul3A_565, %add3A_566 : i32
      %get3A_568 = arith.index_cast %add3A_567 : i32 to index
      %get3A_569 = tpu.vector_load %arg6[%get3A_568] {strides = array<i32>} : memref<7168xi32, #tpu.memory_space<vmem>>, vector<16xi32>,
      %add3A_570 = vector.broadcast %mul3A_519 : i32 to vector<16xi32>
      %add3A_571 = arith.addi %get3A_569, %add3A_570 : vector<16xi32>
      %gather3A_572 = tpu.vector_load_idx %arg5[%add3A_571] : memref<32768xf32, #tpu.memory_space<vmem>>[vector<16xi32>], vector<16xf32>,
      %eq3A_573 = arith.cmpf oeq, %gather3A_572, %gather3A_529 : vector<16xf32>
      %sub3A_574 = arith.subf %gather3A_572, %gather3A_529 : vector<16xf32>
      %exp3A_575 = math.exp %sub3A_574 : vector<16xf32>
      %jit3A_576 = arith.constant 0.000000e+00 : f32
      %broadcast_in_dim3A_577 = vector.broadcast %jit3A_576 : f32 to vector<16xf32>
      %select_n3A_578 = arith.select %eq3A_573, %broadcast_in_dim3A_577, %exp3A_575 : vector<16xi1>, vector<16xf32>
      %add3A_579 = arith.addf %add3A_563, %select_n3A_578 : vector<16xf32>
      %mul3A_580 = arith.constant 112 : i32
      %mul3A_581 = arith.muli %add3A_516, %mul3A_580 : i32
      %add3A_582 = arith.constant 48 : i32
      %add3A_583 = arith.addi %mul3A_581, %add3A_582 : i32
      %get3A_584 = arith.index_cast %add3A_583 : i32 to index
      %get3A_585 = tpu.vector_load %arg6[%get3A_584] {strides = array<i32>} : memref<7168xi32, #tpu.memory_space<vmem>>, vector<16xi32>,
      %add3A_586 = vector.broadcast %mul3A_519 : i32 to vector<16xi32>
      %add3A_587 = arith.addi %get3A_585, %add3A_586 : vector<16xi32>
      %gather3A_588 = tpu.vector_load_idx %arg5[%add3A_587] : memref<32768xf32, #tpu.memory_space<vmem>>[vector<16xi32>], vector<16xf32>,
      %eq3A_589 = arith.cmpf oeq, %gather3A_588, %gather3A_529 : vector<16xf32>
      %sub3A_590 = arith.subf %gather3A_588, %gather3A_529 : vector<16xf32>
      %exp3A_591 = math.exp %sub3A_590 : vector<16xf32>
      %jit3A_592 = arith.constant 0.000000e+00 : f32
      %broadcast_in_dim3A_593 = vector.broadcast %jit3A_592 : f32 to vector<16xf32>
      %select_n3A_594 = arith.select %eq3A_589, %broadcast_in_dim3A_593, %exp3A_591 : vector<16xi1>, vector<16xf32>
      %add3A_595 = arith.addf %add3A_579, %select_n3A_594 : vector<16xf32>
      %mul3A_596 = arith.constant 112 : i32
      %mul3A_597 = arith.muli %add3A_516, %mul3A_596 : i32
      %add3A_598 = arith.constant 64 : i32
      %add3A_599 = arith.addi %mul3A_597, %add3A_598 : i32
      %get3A_600 = arith.index_cast %add3A_599 : i32 to index
      %get3A_601 = tpu.vector_load %arg6[%get3A_600] {strides = array<i32>} : memref<7168xi32, #tpu.memory_space<vmem>>, vector<16xi32>,
      %add3A_602 = vector.broadcast %mul3A_519 : i32 to vector<16xi32>
      %add3A_603 = arith.addi %get3A_601, %add3A_602 : vector<16xi32>
      %gather3A_604 = tpu.vector_load_idx %arg5[%add3A_603] : memref<32768xf32, #tpu.memory_space<vmem>>[vector<16xi32>], vector<16xf32>,
      %eq3A_605 = arith.cmpf oeq, %gather3A_604, %gather3A_529 : vector<16xf32>
      %sub3A_606 = arith.subf %gather3A_604, %gather3A_529 : vector<16xf32>
      %exp3A_607 = math.exp %sub3A_606 : vector<16xf32>
      %jit3A_608 = arith.constant 0.000000e+00 : f32
      %broadcast_in_dim3A_609 = vector.broadcast %jit3A_608 : f32 to vector<16xf32>
      %select_n3A_610 = arith.select %eq3A_605, %broadcast_in_dim3A_609, %exp3A_607 : vector<16xi1>, vector<16xf32>
      %add3A_611 = arith.addf %add3A_595, %select_n3A_610 : vector<16xf32>
      %mul3A_612 = arith.constant 112 : i32
      %mul3A_613 = arith.muli %add3A_516, %mul3A_612 : i32
      %add3A_614 = arith.constant 80 : i32
      %add3A_615 = arith.addi %mul3A_613, %add3A_614 : i32
      %get3A_616 = arith.index_cast %add3A_615 : i32 to index
      %get3A_617 = tpu.vector_load %arg6[%get3A_616] {strides = array<i32>} : memref<7168xi32, #tpu.memory_space<vmem>>, vector<16xi32>,
      %add3A_618 = vector.broadcast %mul3A_519 : i32 to vector<16xi32>
      %add3A_619 = arith.addi %get3A_617, %add3A_618 : vector<16xi32>
      %gather3A_620 = tpu.vector_load_idx %arg5[%add3A_619] : memref<32768xf32, #tpu.memory_space<vmem>>[vector<16xi32>], vector<16xf32>,
      %eq3A_621 = arith.cmpf oeq, %gather3A_620, %gather3A_529 : vector<16xf32>
      %sub3A_622 = arith.subf %gather3A_620, %gather3A_529 : vector<16xf32>
      %exp3A_623 = math.exp %sub3A_622 : vector<16xf32>
      %jit3A_624 = arith.constant 0.000000e+00 : f32
      %broadcast_in_dim3A_625 = vector.broadcast %jit3A_624 : f32 to vector<16xf32>
      %select_n3A_626 = arith.select %eq3A_621, %broadcast_in_dim3A_625, %exp3A_623 : vector<16xi1>, vector<16xf32>
      %add3A_627 = arith.addf %add3A_611, %select_n3A_626 : vector<16xf32>
      %mul3A_628 = arith.constant 112 : i32
      %mul3A_629 = arith.muli %add3A_516, %mul3A_628 : i32
      %add3A_630 = arith.constant 96 : i32
      %add3A_631 = arith.addi %mul3A_629, %add3A_630 : i32
      %get3A_632 = arith.index_cast %add3A_631 : i32 to index
      %get3A_633 = tpu.vector_load %arg6[%get3A_632] {strides = array<i32>} : memref<7168xi32, #tpu.memory_space<vmem>>, vector<16xi32>,
      %add3A_634 = vector.broadcast %mul3A_519 : i32 to vector<16xi32>
      %add3A_635 = arith.addi %get3A_633, %add3A_634 : vector<16xi32>
      %gather3A_636 = tpu.vector_load_idx %arg5[%add3A_635] : memref<32768xf32, #tpu.memory_space<vmem>>[vector<16xi32>], vector<16xf32>,
      %eq3A_637 = arith.cmpf oeq, %gather3A_636, %gather3A_529 : vector<16xf32>
      %sub3A_638 = arith.subf %gather3A_636, %gather3A_529 : vector<16xf32>
      %exp3A_639 = math.exp %sub3A_638 : vector<16xf32>
      %jit3A_640 = arith.constant 0.000000e+00 : f32
      %broadcast_in_dim3A_641 = vector.broadcast %jit3A_640 : f32 to vector<16xf32>
      %select_n3A_642 = arith.select %eq3A_637, %broadcast_in_dim3A_641, %exp3A_639 : vector<16xi1>, vector<16xf32>
      %add3A_643 = arith.addf %add3A_627, %select_n3A_642 : vector<16xf32>
      %reduce_sum3A_644 = arith.constant true
      %reduce_sum3A_645 = vector.broadcast %reduce_sum3A_644 : i1 to vector<16xi1>
      %reduce_sum3A_646 = tpu.scan <sum>, %add3A_643 masked %reduce_sum3A_645 : vector<16xf32>, vector<16xi1> -> vector<16xf32>
      %reduce_sum3A_647 = vector.extract %reduce_sum3A_646[15] : f32 from vector<16xf32>
      %add3A_648 = arith.constant 1.000000e+00 : f32
      %add3A_649 = arith.addf %add3A_648, %reduce_sum3A_647 : f32
      %eq3A_650 = arith.constant 0 : i32
      %eq3A_651 = vector.broadcast %eq3A_650 : i32 to vector<16xi32>
      %eq3A_652 = arith.cmpi eq, %iota3A, %eq3A_651 : vector<16xi32>
      %eq3A_653 = arith.constant 1 : i32
      %eq3A_654 = vector.broadcast %eq3A_653 : i32 to vector<16xi32>
      %eq3A_655 = arith.cmpi eq, %iota3A, %eq3A_654 : vector<16xi32>
      %eq3A_656 = arith.constant 2 : i32
      %eq3A_657 = vector.broadcast %eq3A_656 : i32 to vector<16xi32>
      %eq3A_658 = arith.cmpi eq, %iota3A, %eq3A_657 : vector<16xi32>
      %broadcast_in_dim3A_659 = vector.broadcast %add3A_514 : f32 to vector<16xf32>
      %broadcast_in_dim3A_660 = vector.broadcast %add3A_649 : f32 to vector<16xf32>
      %select_n3A_661 = arith.select %eq3A_658, %broadcast_in_dim3A_659, %broadcast_in_dim3A_660 : vector<16xi1>, vector<16xf32>
      %broadcast_in_dim3A_662 = vector.broadcast %add3A_379 : f32 to vector<16xf32>
      %select_n3A_663 = arith.select %eq3A_655, %broadcast_in_dim3A_662, %select_n3A_661 : vector<16xi1>, vector<16xf32>
      %broadcast_in_dim3A_664 = vector.broadcast %add3A_244 : f32 to vector<16xf32>
      %select_n3A_665 = arith.select %eq3A_652, %broadcast_in_dim3A_664, %select_n3A_663 : vector<16xi1>, vector<16xf32>
      %broadcast_in_dim3A_666 = vector.broadcast %mul3A_117 : i32 to vector<16xi32>
      %add3A_667 = arith.addi %broadcast_in_dim3A_666, %iota3A : vector<16xi32>
      %lt3A = arith.constant 4 : i32
      %lt3A_668 = vector.broadcast %lt3A : i32 to vector<16xi32>
      %lt3A_669 = arith.cmpi slt, %iota3A, %lt3A_668 : vector<16xi32>
      tpu.vector_store_idx %arg7[%add3A_667], %select_n3A_665 masked %lt3A_669 : memref<64xf32, #tpu.memory_space<vmem>>[vector<16xi32>], vector<16xf32>, vector<16xi1>
    }
    %scan3A_114 = arith.constant 16 : i32
    "tpu.region"() ({
      %run_scoped3A = tpu.sem_alloc : memref<!tpu.dma_semaphore, #tpu.memory_space<semaphore_mem>>
      %dma_start3A_115 = tpu.memref_slice %arg4[%mul3A_2] : memref<2048xf32, #tpu.memory_space<hbm>> -> memref<64xf32, #tpu.memory_space<hbm>>
      %dma_start3A_116 = tpu.memref_slice %arg4[%mul3A_2] : memref<2048xf32, #tpu.memory_space<hbm>> -> memref<64xf32, #tpu.memory_space<hbm>>
      tpu.enqueue_dma source(%arg7 : memref<64xf32, #tpu.memory_space<vmem>>) target(%dma_start3A_116 : memref<64xf32, #tpu.memory_space<hbm>>) target_semaphore(%run_scoped3A : memref<!tpu.dma_semaphore, #tpu.memory_space<semaphore_mem>>)
      %dma_wait3A_117 = tpu.memref_slice %arg4[%mul3A_2] : memref<2048xf32, #tpu.memory_space<hbm>> -> memref<64xf32, #tpu.memory_space<hbm>>
      %dma_wait3A_118 = tpu.memref_slice %arg4[%mul3A_2] : memref<2048xf32, #tpu.memory_space<hbm>> -> memref<64xf32, #tpu.memory_space<hbm>>
      tpu.wait_dma2 semaphore(%run_scoped3A : memref<!tpu.dma_semaphore, #tpu.memory_space<semaphore_mem>>) src(%arg7 : memref<64xf32, #tpu.memory_space<vmem>>) dst(%dma_wait3A_118 : memref<64xf32, #tpu.memory_space<hbm>>)
      tpu.yield
    }) : () -> ()
    return
  }
}

module attributes {stable_mosaic.version = 14 : i64} {
  func.func @_stage_c_body(%arg0: memref<16x128xf32, #tpu.memory_space<vmem>>, %arg1: memref<1x1xf32, #tpu.memory_space<smem>>) attributes {dimension_semantics = [], scalar_prefetch = 0 : i64, scratch_operands = 0 : i64, tpu.core_type = #tpu.core_type<tc>} {
    %get3A = arith.constant 0 : index
    %get3A_0 = arith.constant 0 : index
    %get3A_1 = vector.load %arg0[%get3A, %get3A_0] : memref<16x128xf32, #tpu.memory_space<vmem>>, vector<16x128xf32>
    %log3A = math.log %get3A_1 : vector<16x128xf32>
    %reduce_sum3A = vector.shape_cast %log3A : vector<16x128xf32> to vector<1x16x128xf32>
    %reduce_sum3A_2 = arith.constant dense<0.000000e+00> : vector<1xf32>
    %reduce_sum3A_3 = vector.multi_reduction <add>, %reduce_sum3A, %reduce_sum3A_2 [1, 2] : vector<1x16x128xf32> to vector<1xf32>
    %reduce_sum3A_4 = vector.shape_cast %reduce_sum3A_3 : vector<1xf32> to vector<1x1x1xf32>
    %reduce_sum3A_5 = vector.extract %reduce_sum3A_4[0, 0, 0] : f32 from vector<1x1x1xf32>
    %add3A = arith.constant 0.000000e+00 : f32
    %add3A_6 = arith.addf %add3A, %reduce_sum3A_5 : f32
    %swap3A = arith.constant 0 : index
    %swap3A_7 = arith.constant 0 : index
    %swap3A_8 = memref.load %arg1[%swap3A, %swap3A_7] : memref<1x1xf32, #tpu.memory_space<smem>>
    memref.store %add3A_6, %arg1[%swap3A, %swap3A_7] : memref<1x1xf32, #tpu.memory_space<smem>>
    return
  }
}

module attributes {stable_mosaic.version = 14 : i64} {
  func.func @_stage_a_body(%arg0: i32, %arg1: memref<1x512x512xf32, #tpu.memory_space<vmem>>, %arg2: memref<1x512x512xf32, #tpu.memory_space<vmem>>, %arg3: memref<256x512xf32, #tpu.memory_space<vmem>>, %arg4: memref<1x256xf32, #tpu.memory_space<vmem>>, %arg5: memref<256x512xf32, #tpu.memory_space<vmem>>, %arg6: memref<1x256xf32, #tpu.memory_space<vmem>>, %arg7: memref<2048x128xf32, #tpu.memory_space<vmem>>) attributes {dimension_semantics = [#tpu.dimension_semantics<arbitrary>], iteration_bounds = array<i64: 4>, scalar_prefetch = 0 : i64, scratch_operands = 0 : i64, tpu.core_type = #tpu.core_type<tc>, window_params = [{transform_indices = @transform_0, window_bounds = array<i64: 1, 512, 512>}, {transform_indices = @transform_1, window_bounds = array<i64: 1, 512, 512>}, {pipeline_mode = #tpu.pipeline_mode<synchronous>, transform_indices = @transform_2, window_bounds = array<i64: 256, 512>}, {pipeline_mode = #tpu.pipeline_mode<synchronous>, transform_indices = @transform_3, window_bounds = array<i64: 1, 256>}, {pipeline_mode = #tpu.pipeline_mode<synchronous>, transform_indices = @transform_4, window_bounds = array<i64: 256, 512>}, {pipeline_mode = #tpu.pipeline_mode<synchronous>, transform_indices = @transform_5, window_bounds = array<i64: 1, 256>}, {transform_indices = @transform_6, window_bounds = array<i64: 2048, 128>}]} {
    %get3A = arith.constant 0 : index
    %get3A_0 = arith.constant 0 : index
    %get3A_1 = arith.constant 0 : index
    %get3A_2 = vector.load %arg1[%get3A, %get3A_0, %get3A_1] : memref<1x512x512xf32, #tpu.memory_space<vmem>>, vector<1x512x512xf32>
    %get3A_3 = vector.shape_cast %get3A_2 : vector<1x512x512xf32> to vector<512x512xf32>
    %transpose3A = tpu.transpose %get3A_3, [1, 0] : vector<512x512xf32> -> vector<512x512xf32>
    %get3A_4 = arith.constant 0 : index
    %get3A_5 = arith.constant 0 : index
    %get3A_6 = arith.constant 0 : index
    %get3A_7 = vector.load %arg2[%get3A_4, %get3A_5, %get3A_6] : memref<1x512x512xf32, #tpu.memory_space<vmem>>, vector<1x512x512xf32>
    %get3A_8 = vector.shape_cast %get3A_7 : vector<1x512x512xf32> to vector<512x512xf32>
    %transpose3A_9 = tpu.transpose %get3A_8, [1, 0] : vector<512x512xf32> -> vector<512x512xf32>
    %get3A_10 = arith.constant 0 : index
    %get3A_11 = arith.constant 0 : index
    %get3A_12 = vector.load %arg3[%get3A_10, %get3A_11] : memref<256x512xf32, #tpu.memory_space<vmem>>, vector<256x512xf32>
    %convert_element_type3A = arith.truncf %transpose3A : vector<512x512xf32> to vector<512x512xbf16>
    %convert_element_type3A_13 = arith.truncf %get3A_12 : vector<256x512xf32> to vector<256x512xbf16>
    %dot_general3A = arith.constant dense<0.000000e+00> : vector<512x256xf32>
    %dot_general3A_14 = tpu.matmul %convert_element_type3A, %convert_element_type3A_13, %dot_general3A {dimension_numbers = #tpu.dot_dimension_numbers<[1], [1], [0], [0], [0, 0, 1, 0], [], []>, transpose_lhs_hint = false} : vector<512x512xbf16>, vector<256x512xbf16>, vector<512x256xf32> -> vector<512x256xf32>
    %get3A_15 = arith.constant 0 : index
    %get3A_16 = arith.constant 0 : index
    %get3A_17 = vector.load %arg4[%get3A_15, %get3A_16] : memref<1x256xf32, #tpu.memory_space<vmem>>, vector<1x256xf32>
    %add3A = vector.broadcast %get3A_17 : vector<1x256xf32> to vector<512x256xf32>
    %add3A_18 = arith.addf %dot_general3A_14, %add3A : vector<512x256xf32>
    %get3A_19 = arith.constant 0 : index
    %get3A_20 = arith.constant 0 : index
    %get3A_21 = vector.load %arg5[%get3A_19, %get3A_20] : memref<256x512xf32, #tpu.memory_space<vmem>>, vector<256x512xf32>
    %convert_element_type3A_22 = arith.truncf %transpose3A_9 : vector<512x512xf32> to vector<512x512xbf16>
    %convert_element_type3A_23 = arith.truncf %get3A_21 : vector<256x512xf32> to vector<256x512xbf16>
    %dot_general3A_24 = arith.constant dense<0.000000e+00> : vector<512x256xf32>
    %dot_general3A_25 = tpu.matmul %convert_element_type3A_22, %convert_element_type3A_23, %dot_general3A_24 {dimension_numbers = #tpu.dot_dimension_numbers<[1], [1], [0], [0], [0, 0, 1, 0], [], []>, transpose_lhs_hint = false} : vector<512x512xbf16>, vector<256x512xbf16>, vector<512x256xf32> -> vector<512x256xf32>
    %get3A_26 = arith.constant 0 : index
    %get3A_27 = arith.constant 0 : index
    %get3A_28 = vector.load %arg6[%get3A_26, %get3A_27] : memref<1x256xf32, #tpu.memory_space<vmem>>, vector<1x256xf32>
    %add3A_29 = vector.broadcast %get3A_28 : vector<1x256xf32> to vector<512x256xf32>
    %add3A_30 = arith.addf %dot_general3A_25, %add3A_29 : vector<512x256xf32>
    %mul3A = arith.mulf %add3A_18, %add3A_18 : vector<512x256xf32>
    %reduce_sum3A = arith.constant dense<0.000000e+00> : vector<512xf32>
    %reduce_sum3A_31 = vector.multi_reduction <add>, %mul3A, %reduce_sum3A [1] : vector<512x256xf32> to vector<512xf32>
    %broadcast_in_dim3A = vector.shape_cast %reduce_sum3A_31 : vector<512xf32> to vector<512x1xf32>
    %sqrt3A = math.sqrt %broadcast_in_dim3A : vector<512x1xf32>
    %max3A = arith.constant 9.99999993E-9 : f32
    %max3A_32 = vector.broadcast %max3A : f32 to vector<512x1xf32>
    %max3A_33 = arith.maximumf %sqrt3A, %max3A_32 : vector<512x1xf32>
    %mul3A_34 = arith.mulf %add3A_30, %add3A_30 : vector<512x256xf32>
    %reduce_sum3A_35 = arith.constant dense<0.000000e+00> : vector<512xf32>
    %reduce_sum3A_36 = vector.multi_reduction <add>, %mul3A_34, %reduce_sum3A_35 [1] : vector<512x256xf32> to vector<512xf32>
    %broadcast_in_dim3A_37 = vector.shape_cast %reduce_sum3A_36 : vector<512xf32> to vector<512x1xf32>
    %sqrt3A_38 = math.sqrt %broadcast_in_dim3A_37 : vector<512x1xf32>
    %max3A_39 = arith.constant 9.99999993E-9 : f32
    %max3A_40 = vector.broadcast %max3A_39 : f32 to vector<512x1xf32>
    %max3A_41 = arith.maximumf %sqrt3A_38, %max3A_40 : vector<512x1xf32>
    %div3A = vector.broadcast %max3A_33 : vector<512x1xf32> to vector<512x256xf32>
    %div3A_42 = arith.divf %add3A_18, %div3A : vector<512x256xf32>
    %div3A_43 = vector.broadcast %max3A_41 : vector<512x1xf32> to vector<512x256xf32>
    %div3A_44 = arith.divf %add3A_30, %div3A_43 : vector<512x256xf32>
    %slice3A = vector.extract_strided_slice %div3A_42 {offsets = [0, 0], sizes = [128, 256], strides = [1, 1]} : vector<512x256xf32> to vector<128x256xf32>
    %convert_element_type3A_45 = arith.truncf %div3A_44 : vector<512x256xf32> to vector<512x256xbf16>
    %convert_element_type3A_46 = arith.truncf %slice3A : vector<128x256xf32> to vector<128x256xbf16>
    %dot_general3A_47 = arith.constant dense<0.000000e+00> : vector<512x128xf32>
    %dot_general3A_48 = tpu.matmul %convert_element_type3A_45, %convert_element_type3A_46, %dot_general3A_47 {dimension_numbers = #tpu.dot_dimension_numbers<[1], [1], [0], [0], [0, 0, 1, 0], [], []>, transpose_lhs_hint = false} : vector<512x256xbf16>, vector<128x256xbf16>, vector<512x128xf32> -> vector<512x128xf32>
    %mul3A_49 = arith.constant 1.000000e+01 : f32
    %mul3A_50 = vector.broadcast %mul3A_49 : f32 to vector<512x128xf32>
    %mul3A_51 = arith.mulf %dot_general3A_48, %mul3A_50 : vector<512x128xf32>
    %swap3A = arith.constant 0 : index
    %swap3A_52 = arith.constant 0 : index
    %swap3A_53 = vector.load %arg7[%swap3A, %swap3A_52] : memref<2048x128xf32, #tpu.memory_space<vmem>>, vector<512x128xf32>
    tpu.vector_store %arg7[%swap3A, %swap3A_52], %mul3A_51 {strides = array<i32>} : memref<2048x128xf32, #tpu.memory_space<vmem>>, vector<512x128xf32>,
    %slice3A_54 = vector.extract_strided_slice %div3A_42 {offsets = [128, 0], sizes = [128, 256], strides = [1, 1]} : vector<512x256xf32> to vector<128x256xf32>
    %convert_element_type3A_55 = arith.truncf %div3A_44 : vector<512x256xf32> to vector<512x256xbf16>
    %convert_element_type3A_56 = arith.truncf %slice3A_54 : vector<128x256xf32> to vector<128x256xbf16>
    %dot_general3A_57 = arith.constant dense<0.000000e+00> : vector<512x128xf32>
    %dot_general3A_58 = tpu.matmul %convert_element_type3A_55, %convert_element_type3A_56, %dot_general3A_57 {dimension_numbers = #tpu.dot_dimension_numbers<[1], [1], [0], [0], [0, 0, 1, 0], [], []>, transpose_lhs_hint = false} : vector<512x256xbf16>, vector<128x256xbf16>, vector<512x128xf32> -> vector<512x128xf32>
    %mul3A_59 = arith.constant 1.000000e+01 : f32
    %mul3A_60 = vector.broadcast %mul3A_59 : f32 to vector<512x128xf32>
    %mul3A_61 = arith.mulf %dot_general3A_58, %mul3A_60 : vector<512x128xf32>
    %swap3A_62 = arith.constant 512 : index
    %swap3A_63 = arith.constant 0 : index
    %swap3A_64 = vector.load %arg7[%swap3A_62, %swap3A_63] : memref<2048x128xf32, #tpu.memory_space<vmem>>, vector<512x128xf32>
    tpu.vector_store %arg7[%swap3A_62, %swap3A_63], %mul3A_61 {strides = array<i32>} : memref<2048x128xf32, #tpu.memory_space<vmem>>, vector<512x128xf32>,
    %slice3A_65 = vector.extract_strided_slice %div3A_42 {offsets = [256, 0], sizes = [128, 256], strides = [1, 1]} : vector<512x256xf32> to vector<128x256xf32>
    %convert_element_type3A_66 = arith.truncf %div3A_44 : vector<512x256xf32> to vector<512x256xbf16>
    %convert_element_type3A_67 = arith.truncf %slice3A_65 : vector<128x256xf32> to vector<128x256xbf16>
    %dot_general3A_68 = arith.constant dense<0.000000e+00> : vector<512x128xf32>
    %dot_general3A_69 = tpu.matmul %convert_element_type3A_66, %convert_element_type3A_67, %dot_general3A_68 {dimension_numbers = #tpu.dot_dimension_numbers<[1], [1], [0], [0], [0, 0, 1, 0], [], []>, transpose_lhs_hint = false} : vector<512x256xbf16>, vector<128x256xbf16>, vector<512x128xf32> -> vector<512x128xf32>
    %mul3A_70 = arith.constant 1.000000e+01 : f32
    %mul3A_71 = vector.broadcast %mul3A_70 : f32 to vector<512x128xf32>
    %mul3A_72 = arith.mulf %dot_general3A_69, %mul3A_71 : vector<512x128xf32>
    %swap3A_73 = arith.constant 1024 : index
    %swap3A_74 = arith.constant 0 : index
    %swap3A_75 = vector.load %arg7[%swap3A_73, %swap3A_74] : memref<2048x128xf32, #tpu.memory_space<vmem>>, vector<512x128xf32>
    tpu.vector_store %arg7[%swap3A_73, %swap3A_74], %mul3A_72 {strides = array<i32>} : memref<2048x128xf32, #tpu.memory_space<vmem>>, vector<512x128xf32>,
    %slice3A_76 = vector.extract_strided_slice %div3A_42 {offsets = [384, 0], sizes = [128, 256], strides = [1, 1]} : vector<512x256xf32> to vector<128x256xf32>
    %convert_element_type3A_77 = arith.truncf %div3A_44 : vector<512x256xf32> to vector<512x256xbf16>
    %convert_element_type3A_78 = arith.truncf %slice3A_76 : vector<128x256xf32> to vector<128x256xbf16>
    %dot_general3A_79 = arith.constant dense<0.000000e+00> : vector<512x128xf32>
    %dot_general3A_80 = tpu.matmul %convert_element_type3A_77, %convert_element_type3A_78, %dot_general3A_79 {dimension_numbers = #tpu.dot_dimension_numbers<[1], [1], [0], [0], [0, 0, 1, 0], [], []>, transpose_lhs_hint = false} : vector<512x256xbf16>, vector<128x256xbf16>, vector<512x128xf32> -> vector<512x128xf32>
    %mul3A_81 = arith.constant 1.000000e+01 : f32
    %mul3A_82 = vector.broadcast %mul3A_81 : f32 to vector<512x128xf32>
    %mul3A_83 = arith.mulf %dot_general3A_80, %mul3A_82 : vector<512x128xf32>
    %swap3A_84 = arith.constant 1536 : index
    %swap3A_85 = arith.constant 0 : index
    %swap3A_86 = vector.load %arg7[%swap3A_84, %swap3A_85] : memref<2048x128xf32, #tpu.memory_space<vmem>>, vector<512x128xf32>
    tpu.vector_store %arg7[%swap3A_84, %swap3A_85], %mul3A_83 {strides = array<i32>} : memref<2048x128xf32, #tpu.memory_space<vmem>>, vector<512x128xf32>,
    return
  }
  func.func @transform_0(%arg0: i32) -> (i32, i32, i32) {
    %add3A = arith.constant 0 : i32
    %add3A_0 = arith.addi %arg0, %add3A : i32
    %c0_i32 = arith.constant 0 : i32
    %c0_i32_1 = arith.constant 0 : i32
    %c0_i32_2 = arith.constant 0 : i32
    return %add3A_0, %c0_i32, %c0_i32_1 : i32, i32, i32
  }
  func.func @transform_1(%arg0: i32) -> (i32, i32, i32) {
    %add3A = arith.constant 0 : i32
    %add3A_0 = arith.addi %arg0, %add3A : i32
    %c0_i32 = arith.constant 0 : i32
    %c0_i32_1 = arith.constant 0 : i32
    %c0_i32_2 = arith.constant 0 : i32
    return %add3A_0, %c0_i32, %c0_i32_1 : i32, i32, i32
  }
  func.func @transform_2(%arg0: i32) -> (i32, i32) {
    %c0_i32 = arith.constant 0 : i32
    %c0_i32_0 = arith.constant 0 : i32
    %c0_i32_1 = arith.constant 0 : i32
    return %c0_i32, %c0_i32_0 : i32, i32
  }
  func.func @transform_3(%arg0: i32) -> (i32, i32) {
    %c0_i32 = arith.constant 0 : i32
    %c0_i32_0 = arith.constant 0 : i32
    %c0_i32_1 = arith.constant 0 : i32
    return %c0_i32, %c0_i32_0 : i32, i32
  }
  func.func @transform_4(%arg0: i32) -> (i32, i32) {
    %c0_i32 = arith.constant 0 : i32
    %c0_i32_0 = arith.constant 0 : i32
    %c0_i32_1 = arith.constant 0 : i32
    return %c0_i32, %c0_i32_0 : i32, i32
  }
  func.func @transform_5(%arg0: i32) -> (i32, i32) {
    %c0_i32 = arith.constant 0 : i32
    %c0_i32_0 = arith.constant 0 : i32
    %c0_i32_1 = arith.constant 0 : i32
    return %c0_i32, %c0_i32_0 : i32, i32
  }
  func.func @transform_6(%arg0: i32) -> (i32, i32) {
    %c0_i32 = arith.constant 0 : i32
    %c0_i32_0 = arith.constant 0 : i32
    return %arg0, %c0_i32 : i32, i32
  }
}

</mosaic_0001>

<sc_bundles>
// kernel: kernel.5.cloned.1.call-start
scs
__scs_entry_jumppad:
0x0: {  	(pc) =	sbr.rel $0x88, $3  }
0x1: {  	(tag) =	ssettag $0x0;
	lr =	simm.s32 $0x1  }
0x2: {  	[smem:$0x3F9B] =	sst lr;
	_ =	strace $0xD0000000  }
0x3: {  	_ = 	snop  }
0x4: {  	_ = 	snop  }
0x5: {  	_ = 	snop  }
0x6: {  	_ = 	snop  }
0x7: {  	_ = 	snop  }
__scs_overlays_trampoline_lowered:
0x8: {  	[smem:$0x3FAA] =	sst s0  }
0x9: {  	[smem:$0x3FAB] =	sst s1  }
0xa: {  	[smem:$0x3FAC] =	sst s2  }
0xb: {  	[smem:$0x3FAD] =	sst s3  }
0xc: {  	[smem:$0x3FAE] =	sst s4  }
0xd: {  	[smem:$0x3FAF] =	sst s5  }
0xe: {  	[smem:$0x3FB0] =	sst s6  }
0xf: {  	[smem:$0x3FB1] =	sst s7  }
0x10: {  	[smem:$0x3FB2] =	sst s8  }
0x11: {  	[smem:$0x3FB3] =	sst s9;
	s0 =	simm.s32 @!p0 $0x0  }
0x12: {  	s1 =	sld [smem:$0x3F99];
	s0 =	simm.s32 @p0 $0x1  }
0x13: {  	[smem:$0x3FB4] =	sst s0;
	s0 =	simm.s32 @!p1 $0x0  }
0x14: {  	s2 =	sld [smem:$0x3F98];
	s0 =	simm.s32 @p1 $0x1  }
0x15: {  	[smem:$0x3FB5] =	sst s0;
	s0 =	simm.s32 @!p2 $0x0  }
0x16: {  	s3 =	sld [smem:$0x3FDB];
	s0 =	simm.s32 @p2 $0x1  }
0x17: {  	s4 =	simm.s32 $0x1BF5;
	[smem:$0x3FB7] =	sst s0  }
0x18: {  	s0 =	sld [smem:$0x3F9A];
	_ =	swait.ge [sflag:s4], $0x0  }
0x19: {  	s7 =	sld [smem:$0x3F9B]  }
0x1a: {  	s8 =	sadd.s32 $0xFFFFE003, lr  }
0x1b: {  	s9 =	sadd.s32 $0xFFFFFEF7, lr;
	s5 =	simm.s32 $0xFFFFFFFF;
	p2 =	slt.u32 s8, $0xFFFFF086  }
0x1c: {  	p1 =	slt.u32 s9, $0xF7A;
	s5 =	simm.s32 @!p2 $0x0  }
0x1d: {  	s5 =	simm.s32 @p1 $0x1;
	p0 =	seq.s32 s7, s2  }
0x1e: {  	s7 =	smul.u32 @!p0 $0xF7A, s2;
	p2 =	seq.s32 @!p0 s5, $0x0  }
0x1f: {  	s9 =	smul.u32 $0xF7A, s1;
	s8 =	simm.s32 @!p0 $0x1BF5;
	p2 =	por !p2, p0  }
0x20: {  	[sflag:s8] =	ssyncset.s32 @!p0 $0xFFFFF086;
	s6 =	sadd.s32 @!p0 s3, s7;
	s7 =	simm.s32 @!p0 $0x108  }
0x21: {  	s3 =	sadd.s32 s3, s9;
	s6 =	sadd.s32 @!p0 $0x88, s6;
	s7 =	simm.s32 @p2 $0x1082  }
0x22: {  	[simem:s7], [sflag:s8] =	dma.local @!p0 [hbm:s6], $0xF7A  }
0x23: {  	s9 =	sor.u32 $0xD0000000, s2;
	s6 =	simm.s32 $0x108;
	_ =	swait.ge @!p0 [sflag:s8], $0x0  }
0x24: {  	s3 =	sadd.s32 $0x88, s3;
	s6 =	simm.s32 @!p1 $0x1082;
	[sflag:s4] =	ssyncset.s32 $0xFFFFF086  }
0x25: {  	[simem:s6], [sflag:s4] =	dma.local [hbm:s3], $0xF7A  }
0x26: {  	[smem:$0x3F9B] =	sst s1;
	(tag) =	ssettag s2;
	_ =	strace s9  }
0x27: {  	s1 =	sld [smem:$0x3FAB]  }
0x28: {  	s2 =	sld [smem:$0x3FAC]  }
0x29: {  	s4 =	sld [smem:$0x3FAE]  }
0x2a: {  	p0 =	seq.s32 s5, $0x0;
	s5 =	sld [smem:$0x3FAF]  }
0x2b: {  	s6 =	sld [smem:$0x3FB0]  }
0x2c: {  	s7 =	sld [smem:$0x3FB1]  }
0x2d: {  	s3 =	simm.s32 $0x108;
	s8 =	sld [smem:$0x3FB2]  }
0x2e: {  	s3 =	simm.s32 @!p0 $0x1082;
	s9 =	sld [smem:$0x3FB3]  }
0x2f: {  	lr =	sadd.s32 s0, s3;
	s0 =	sld [smem:$0x3FAA]  }
0x30: {  	s3 =	sld [smem:$0x3FAD]  }
0x31: {  	[smem:$0x3FB6] =	sst s10  }
0x32: {  	s10 =	sld [smem:$0x3FB4];
	_ =	sdelay $0x3  }
0x33: {  	p0 =	seq.s32 s10, $0x1;
	s10 =	sld [smem:$0x3FB6];
	_ =	sdelay $0x3  }
0x34: {  	[smem:$0x3FB6] =	sst s10  }
0x35: {  	s10 =	sld [smem:$0x3FB5];
	_ =	sdelay $0x3  }
0x36: {  	p1 =	seq.s32 s10, $0x1;
	s10 =	sld [smem:$0x3FB6];
	_ =	sdelay $0x3  }
0x37: {  	[smem:$0x3FB6] =	sst s10  }
0x38: {  	s10 =	sld [smem:$0x3FB7]  }
0x39: {  	_ = 	snop;
	(pc) =	sbr.ind lr, $3  }
0x3a: {  	_ = 	snop  }
0x3b: {  	_ = 	snop  }
0x3c: {  	p2 =	seq.s32 s10, $0x1;
	s10 =	sld [smem:$0x3FB6]  }
0x3d: {  	_ =	shalt  }
0x3e: {  	_ =	shalt  }
0x3f: {  	_ =	shalt  }
0x40: {  	_ =	shalt  }
0x41: {  	_ =	shalt  }
0x42: {  	_ =	shalt  }
0x43: {  	_ =	shalt  }
0x44: {  	_ =	shalt  }
0x45: {  	_ =	shalt  }
0x46: {  	_ =	shalt  }
0x47: {  	_ =	shalt  }
0x48: {  	_ =	shalt  }
0x49: {  	_ =	shalt  }
0x4a: {  	_ =	shalt  }
0x4b: {  	_ =	shalt  }
0x4c: {  	_ =	shalt  }
0x4d: {  	_ =	shalt  }
0x4e: {  	_ =	shalt  }
0x4f: {  	_ =	shalt  }
0x50: {  	_ =	shalt  }
0x51: {  	_ =	shalt  }
0x52: {  	_ =	shalt  }
0x53: {  	_ =	shalt  }
0x54: {  	_ =	shalt  }
0x55: {  	_ =	shalt  }
0x56: {  	_ =	shalt  }
0x57: {  	_ =	shalt  }
0x58: {  	_ =	shalt  }
0x59: {  	_ =	shalt  }
0x5a: {  	_ =	shalt  }
0x5b: {  	_ =	shalt  }
0x5c: {  	_ =	shalt  }
0x5d: {  	_ =	shalt  }
0x5e: {  	_ =	shalt  }
0x5f: {  	_ =	shalt  }
0x60: {  	_ =	shalt  }
0x61: {  	_ =	shalt  }
0x62: {  	_ =	shalt  }
0x63: {  	_ =	shalt  }
0x64: {  	_ =	shalt  }
0x65: {  	_ =	shalt  }
0x66: {  	_ =	shalt  }
0x67: {  	_ =	shalt  }
0x68: {  	_ =	shalt  }
0x69: {  	_ =	shalt  }
0x6a: {  	_ =	shalt  }
0x6b: {  	_ =	shalt  }
0x6c: {  	_ =	shalt  }
0x6d: {  	_ =	shalt  }
0x6e: {  	_ =	shalt  }
0x6f: {  	_ =	shalt  }
0x70: {  	_ =	shalt  }
0x71: {  	_ =	shalt  }
0x72: {  	_ =	shalt  }
0x73: {  	_ =	shalt  }
0x74: {  	_ =	shalt  }
0x75: {  	_ =	shalt  }
0x76: {  	_ =	shalt  }
0x77: {  	_ =	shalt  }
0x78: {  	_ =	shalt  }
0x79: {  	_ =	shalt  }
0x7a: {  	_ =	shalt  }
0x7b: {  	_ =	shalt  }
0x7c: {  	_ =	shalt  }
0x7d: {  	_ =	shalt  }
0x7e: {  	_ =	shalt  }
0x7f: {  	_ =	shalt  }
0x80: {  	_ =	shalt  }
0x81: {  	_ =	shalt  }
0x82: {  	_ =	shalt  }
0x83: {  	_ =	shalt  }
0x84: {  	_ =	shalt  }
0x85: {  	_ =	shalt  }
0x86: {  	_ =	shalt  }
0x87: {  	_ =	shalt  }
.Lfunc_end0:
.L_simem_size_0:
called_computation_lowered:
.L_overlay_start_0:
0x88: {  	s2 =	sld [smem:$0x3FD9]  }
0x89: {  	s3 =	sld [smem:$0x3FFE];
	_ =	sdelay $0x1  }
0x8a: {  	s1 =	srdreg.scid  }
0x8b: {  	s0 =	sand.u32 $0x1, s1  }
0x8c: {  	s16 =	sshll.u32 s0, $0xA;
	s2 =	sadd.s32 s3, s2  }
0x8d: {  	s2 =	sadd.s32 s2, s16  }
0x8e: {  	[smem:$0x3FC2] =	sst s2  }
0x8f: {  	_ = 	snop  }
0x90: {  	(tm) =	ssettm $0x1  }
0x91: {  	s17 =	sld [smem:$0x3FFB];
	_ =	sdelay $0x3  }
0x92: {  	_ =	strace s17  }
0x93: {  	s2 =	sld [smem:$0x3FFC];
	_ =	sdelay $0x3  }
0x94: {  	_ =	strace s2  }
0x95: {  	s2 =	sld [smem:$0x3FFD];
	_ =	sdelay $0x3  }
0x96: {  	_ =	strace s2  }
0x97: {  	_ =	strace $0x8FFFFFFF  }
0x98: {  	s18 =	sld [smem:$0x3FDB];
	_ =	sdelay $0x1  }
0x99: {  	s19 =	simm.s32 $_scs_section_size  }
0x9a: {  	s4 =	simm.s32 $_size__tile_overlayer_lowered;
	s5 =	simm.s32 $_tile_overlayer_lowered  }
0x9b: {  	s22 =	simm.s32 $0x1BFF;
	s21 =	sshll.u32 s5, $0x1;
	s2 =	sadd.s32 s19, s18  }
0x9c: {  	s6 =	simm.s32 $0x0;
	s20 =	sshll.u32 s4, $0x1;
	s4 =	sadd.s32 s21, s2  }
0x9d: {  	[timem:s6], [sflag:s22] =	dma.local [hbm:s4], s20  }
0x9e: {  	_ =	swait.ge [sflag:s22], s20  }
0x9f: {  	s3 =	ssub.s32 $0x0, s20;
	[sflag:s22] =	ssyncset.done $0x0  }
0xa0: {  	[sflag:s22] =	ssyncadd.s32 s3;
	_ =	sdelay $0x1  }
0xa1: {  	s23 =	simm.s32 $0x1B8B  }
0xa2: {  	_ =	swait.ge [sflag:s23], $0x1  }
0xa3: {  	[sflag:s23] =	ssyncset.done $0x0  }
0xa4: {  	s25 =	simm.s32 $0x1B8E;
	s24 =	sld [smem:$0x3FFE];
	[sflag:s23] =	ssyncadd.s32 $0xFFFFFFFF  }
0xa5: {  	s26 =	simm.s32 $execute0_lowered;
	[smem:$0x3FD2] =	sst s25  }
0xa6: {  	s4 =	sshll.u32 s26, $0x1;
	_ =	strace $0x80000046;
	[dreg:$0x1] =	wrdreg $0xFFFFFFFF  }
0xa7: {  	s28 =	simm.s32 $_size_execute0_lowered;
	s2 =	sadd.s32 s2, s4;
	[dreg:$0x0] =	wrdreg $0x0  }
0xa8: {  	s4 =	sshll.u32 s28, $0x1;
	[dreg:$0x2] =	wrdreg s2  }
0xa9: {  	[dreg:$0x3] =	wrdreg s4  }
0xaa: {  	[dreg:$0x4] =	wrdreg $0xC0  }
0xab: {  	_ =	task [dreg:s6], $0x5FFFF  }
0xac: {  	[dreg:$0x1] =	wrdreg $0xFFFFFFFF  }
0xad: {  	[dreg:$0x0] =	wrdreg $0x60  }
0xae: {  	[dreg:$0x2] =	wrdreg s24  }
0xaf: {  	[dreg:$0x3] =	wrdreg $0x9  }
0xb0: {  	_ =	task.clear_ibuf [dreg:s6], $0x4FFFF;
	_ =	strace $0x90000046  }
0xb1: {  	s29 =	simm.s32 $0x9;
	_ =	strace $0x80000048  }
0xb2: {  	_ =	swait.ge [sflag:s29], $0x1  }
0xb3: {  	[sflag:s29] =	ssyncadd.s32 $0xFFFFFFFF  }
0xb4: {  	_ =	strace $0x90000048  }
0xb5: {  	_ =	sfence  }
0xb6: {  	s30 =	sld [smem:$0x0];
	_ =	sdelay $0x2  }
0xb7: {  	s31 =	sshll.u32 s1, $0xD;
	s1 =	sshrl.u32 s1, $0x2  }
0xb8: {  	s3 =	sand.u32 $0x4000, s31;
	s1 =	sadd.s32 s1, s30  }
0xb9: {  	s0 =	sor.u32 s3, s0;
	s1 =	sshll.u32 s1, $0x11  }
0xba: {  	s0 =	sor.u32 s1, s0  }
0xbb: {  	s0 =	sadd.s32 $0x8F2B, s0  }
0xbc: {  	[sflag:s0] =	ssyncadd.remote.s32 $0x1  }
0xbd: {  	_ =	sfence.sel $0xFFFF  }
0xbe: {  	[dreg:$0x0] =	wrdreg $0xFFFFFFFF;
	(pc) =	sbr.abs _section_cstart, $3  }
0xbf: {  	[dreg:$0x1] =	wrdreg $0xFFFFFFFF  }
0xc0: {  	_ =	task.clear_ibuf [dreg:s6], $0x2FFFF;
	_ =	strace $0x9FFFFFFF  }
0xc1: {  	(tm) =	ssettm $0x7FFFFFFF  }
tec
execute0_lowered:
.L_overlay_start_1:
0x0: {  	(tag) =	ssettag $0x1  }
0x1: {  	s1 =	srdreg.scid  }
0x2: {  	s0 =	stileid.u32;
	s3 =	rddreg [dreg:$0x0];
	s2 =	simm.s32 $0x0  }
0x3: {  	s14 =	simm.s32 $0x6000;
	s15 =	simm.s32 $0x8000;
	s16 =	simm.s32 $0x2  }
0x4: {  	s17 =	simm.s32 $0x1;
	s18 =	simm.s32 $0x9C00;
	s19 =	simm.s32 $0x0  }
0x5: {  	s10 =	sand.u32 $0x1, s1;
	s4 =	sshll.u32 s0, $0x1;
	s1 =	rddreg [dreg:$0x1]  }
0x6: {  	[smem:$0x7FF] =	sst s2;
	s6 =	sshrl.u32 s0, $0x2;
	s8 =	sadd.s32 $0x1600, s3  }
0x7: {  	s4 =	sor.u32 s10, s4;
	_ =	strace $0x80000047;
	s7 =	sshll.u32 s6, $0x3  }
0x8: {  	s28 =	ssub.s32 $0x2, s10;
	s6 =	sshll.u32 s6, $0x12;
	s10 =	sshll.u32 s10, $0x6  }
0x9: {  	s5 =	smul.u32 $0x380, s4;
	s11 =	ssub.s32 s4, s7;
	s4 =	sshll.u32 s4, $0x3  }
0xa: {  	s12 =	sshrl.u32 s28, $0x1;
	s7 =	sshll.u32 s11, $0xD;
	s13 =	sadd.s32 s4, s3  }
0xb: {  	s12 =	ssub.s32 s28, s12;
	s11 =	sshll.u32 s11, $0xC;
	s6 =	sadd.s32 s6, s7  }
0xc: {  	s9 =	sadd.s32 s5, s3;
	s11 =	sand.u32 $0xFFFFE000, s11;
	s29 =	sshrl.u32 s6, $0x3  }
0xd: {  	s30 =	sadd.s32 $0x10000, s6;
	s31 =	sadd.s32 $0x20000, s6;
	s6 =	sadd.s32 $0x30000, s6  }
0xe: {  	s7 =	sadd.s32 $0x21600, s9;
	s9 =	smax.u32 s12, $0x1;
	s12 =	simm.s32 $0x2000  }
0xf: {  	s3 =	sadd.s32 s8, s29;
	s4 =	sshrl.u32 s30, $0x3;
	s5 =	sshrl.u32 s31, $0x3  }
0x10: {  	s6 =	sshrl.u32 s6, $0x3;
	s4 =	sadd.s32 s8, s4;
	s5 =	sadd.s32 s8, s5  }
0x11: {  	v0 =	vlaneseq.u32;
	s6 =	sadd.s32 s8, s6;
	s8 =	sadd.s32 $0x28600, s13;
	s13 =	simm.s32 $0x4000  }
.LBB2_1:
0x12: {  	[tilespmem:s2], [sflag:$0x1] =	stream.linear.gather [hbm4b:s3+s2], $0x2000, $0x38;
	[tilespmem:$0x9C80] =	vst v63  }
0x13: {  	_ = 	snop  }
0x14: {  	[tilespmem:s12], [sflag:$0x1] =	stream.linear.gather [hbm4b:s4+s2], $0x2000, $0x38;
	[tilespmem:$0x9C80] =	vst v63  }
0x15: {  	_ = 	snop  }
0x16: {  	[tilespmem:s13], [sflag:$0x1] =	stream.linear.gather [hbm4b:s5+s2], $0x2000, $0x38;
	[tilespmem:$0x9C80] =	vst v63  }
0x17: {  	_ = 	snop  }
0x18: {  	[tilespmem:s14], [sflag:$0x1] =	stream.linear.gather [hbm4b:s6+s2], $0x2000, $0x38;
	[tilespmem:$0x9C80] =	vst v63  }
0x19: {  	_ = 	snop  }
0x1a: {  	[tilespmem:s15], [sflag:$0x2] =	stream.linear.gather [hbm4b:s7+s2], $0x1C00, $0x38;
	[tilespmem:$0x9C80] =	vst v63  }
0x1b: {  	_ =	swait.ge [sflag:s16], $0x1C00  }
0x1c: {  	[sflag:s16] =	ssyncset.done $0x0  }
0x1d: {  	[sflag:s16] =	ssyncadd.s32 $0xFFFFE400  }
0x1e: {  	_ =	swait.ge [sflag:s17], $0x2000  }
0x1f: {  	[sflag:s17] =	ssyncset.done $0x0  }
0x20: {  	[sflag:s17] =	ssyncadd.s32 $0xFFFFE000  }
0x21: {  	_ =	swait.ge [sflag:s17], $0x2000  }
0x22: {  	[sflag:s17] =	ssyncset.done $0x0  }
0x23: {  	[sflag:s17] =	ssyncadd.s32 $0xFFFFE000  }
0x24: {  	_ =	swait.ge [sflag:s17], $0x2000  }
0x25: {  	[sflag:s17] =	ssyncset.done $0x0  }
0x26: {  	[sflag:s17] =	ssyncadd.s32 $0xFFFFE000  }
0x27: {  	_ =	swait.ge [sflag:s17], $0x2000  }
0x28: {  	[sflag:s17] =	ssyncset.done $0x0  }
0x29: {  	s21 =	simm.s32 $0x80E0;
	[sflag:s17] =	ssyncadd.s32 $0xFFFFE000  }
0x2a: {  	v1 =	vld [tilespmem:s21+$0x60]  }
0x2b: {  	v2 =	vld [tilespmem:s21+$0x40]  }
0x2c: {  	v3 =	vld [tilespmem:s21+$0x30]  }
0x2d: {  	v4 =	vld [tilespmem:s21+$0x20]  }
0x2e: {  	v5 =	vld [tilespmem:s21+$0x50]  }
0x2f: {  	v6 =	vld [tilespmem:s21+$0xFFFFFFF0]  }
0x30: {  	v8 =	vld [tilespmem:s21+$0xFFFFFF80]  }
0x31: {  	v10 =	vld [tilespmem:s21+$0xFFFFFF70]  }
0x32: {  	v11 =	vld [tilespmem:s21+$0xD0]  }
0x33: {  	v13 =	vld [tilespmem:s21+$0xFFFFFFC0]  }
0x34: {  	s20 =	simm.s32 $0x100;
	v14 =	vld [tilespmem:s21+$0xFFFFFF60]  }
0x35: {  	v15 =	vld [tilespmem:s21+$0xFFFFFF90];
	v4 =	vadd.s32 s20, v4  }
0x36: {  	v16 =	vld [tilespmem:s21+$0xC0]  }
0x37: {  	v17 =	vld [tilespmem:s21+$0x10]  }
0x38: {  	v18 =	vld [tilespmem:s21+$0xFFFFFFB0]  }
0x39: {  	v19 =	vld [tilespmem:s21+$0xFFFFFF50]  }
0x3a: {  	v12 =	vld.idx.msk [tilespmem:v4+s2+$0x0], $0xffff  }
0x3b: {  	v4 =	vld [tilespmem:s21+$0xFFFFFFA0]  }
0x3c: {  	v20 =	vld [tilespmem:s21+$0xB0]  }
0x3d: {  	v22 =	vld [tilespmem:s21+$0x0]  }
0x3e: {  	v24 =	vld [tilespmem:s21+$0xFFFFFF40];
	v3 =	vadd.s32 s20, v3  }
0x3f: {  	s22 =	simm.s32 $0x80;
	v25 =	vld [tilespmem:s21+$0xA0]  }
0x40: {  	v26 =	vld [tilespmem:s21+$0xFFFFFF30];
	v4 =	vadd.s32 s22, v4  }
0x41: {  	s23 =	sadd.s32 s11, s10;
	v27 =	vld [tilespmem:s21+$0x90]  }
0x42: {  	s24 =	sadd.s32 $0x81, s23;
	v29 =	vld [tilespmem:s21+$0xFFFFFF20]  }
0x43: {  	v21 =	vmov s24;
	v2 =	vadd.s32 s20, v2;
	v9 =	vld.idx.msk [tilespmem:v3+s2+$0x0], $0xffff  }
0x44: {  	v21 =	vand.u32 $0xFFFFFEFD, v21;
	v3 =	vld [tilespmem:s21+$0xFFFFFFD0]  }
0x45: {  	v15 =	vadd.s32 s22, v15;
	v23 =	vld.idx.msk [tilespmem:v4+s2+$0x0], $0xffff;
	v4 =	vbroadcast v21, $0x0  }
0x46: {  	s30 =	sadd.s32 $0x102, s23;
	v33 =	vld [tilespmem:s21+$0x80]  }
0x47: {  	v28 =	vmov s23;
	v36 =	vld [tilespmem:s21+$0x70];
	v18 =	vadd.s32 s22, v18;
	v21 =	vmov s30  }
0x48: {  	v13 =	vadd.s32 s22, v13;
	v35 =	vadd.s32 s22, v6;
	v7 =	vld.idx.msk [tilespmem:v2+s2+$0x0], $0xffff;
	v21 =	vand.u32 $0xFFFFFF7E, v21  }
0x49: {  	s23 =	sadd.s32 $0x183, s23;
	v6 =	vadd.s32 s2, v10;
	v2 =	vld [tilespmem:s21+$0xFFFFFFE0];
	v10 =	vadd.s32 s22, v3;
	v21 =	vbroadcast v21, $0x0  }
0x4a: {  	v28 =	vand.u32 $0xFFFFFE7C, v28;
	v30 =	vmov s23;
	v15 =	vld.idx.msk [tilespmem:v15+s2+$0x0], $0xffff  }
0x4b: {  	s31 =	simm.s32 $0x180;
	v28 =	vbroadcast v28, $0x0;
	v1 =	vadd.s32 s20, v1;
	v22 =	vadd.s32 s20, v22;
	v31 =	vld.idx.msk [tilespmem:v4+s2+$0x0], $0xffff  }
0x4c: {  	v32 =	vadd.s32 s20, v5;
	v8 =	vadd.s32 s2, v8;
	v5 =	vadd.s32 s31, v16;
	v16 =	vld.idx.msk [tilespmem:v18+s2+$0x0], $0xffff  }
0x4d: {  	v27 =	vadd.s32 s31, v27;
	v63 =	vadd.s32 s31, v36;
	v18 =	vadd.s32 s2, v19;
	v13 =	vld.idx.msk [tilespmem:v13+s2+$0x0], $0xffff  }
0x4e: {  	v19 =	vadd.s32 s31, v20;
	v34 =	vadd.s32 s22, v2;
	v10 =	vld.idx.msk [tilespmem:v10+s2+$0x0], $0xffff;
	v4 =	vadd.s32 s31, v11  }
0x4f: {  	v11 =	vadd.s32 s2, v14;
	v14 =	vadd.s32 s20, v17;
	v17 =	vadd.s32 s2, v24;
	v2 =	vld.idx.msk [tilespmem:v21+s2+$0x0], $0xffff  }
0x50: {  	v20 =	vld.idx.msk [tilespmem:v22+s2+$0x0], $0xffff;
	v24 =	vadd.s32 s31, v25;
	v25 =	vadd.s32 s2, v29;
	v22 =	vsub.f32 v15, v31  }
0x51: {  	v21 =	vadd.s32 s2, v26;
	v26 =	vadd.s32 s31, v33;
	v29 =	vsub.f32 v23, v31  }
0x52: {  	v39 =	vsub.f32 v16, v31;
	v41 =	vsub.f32 v13, v31;
	v22 =	vmul.f32 $1.442695020e+00, v22  }
0x53: {  	v1 =	vld.idx.msk [tilespmem:v1+s2+$0x0], $0xffff;
	v37 =	vsub.f32 v10, v31;
	vm4 =	veq.f32 v15, v31;
	v29 =	vmul.f32 $1.442695020e+00, v29  }
0x54: {  	v14 =	vld.idx.msk [tilespmem:v14+s2+$0x0], $0xffff;
	vm3 =	veq.f32 v12, v2;
	v12 =	vsub.f32 v12, v2;
	(erf) = vpow2.f32 v22  }
0x55: {  	vm5 =	veq.f32 v23, v31;
	v33 =	vmul.f32 $1.442695020e+00, v39;
	v22 =	vld.idx.msk [tilespmem:v34+s2+$0x0], $0xffff;
	(erf) = vpow2.f32 v29  }
0x56: {  	vm2 =	veq.f32 v20, v2;
	v20 =	vsub.f32 v20, v2;
	v12 =	vmul.f32 $1.442695020e+00, v12;
	v29 =	vld.idx.msk [tilespmem:v35+s2+$0x0], $0xffff  }
0x57: {  	v3 =	vld.idx.msk [tilespmem:v32+s2+$0x0], $0xffff;
	vm1 =	veq.f32 v9, v2;
	v36 =	vmul.f32 $1.442695020e+00, v41;
	(erf) = vpow2.f32 v33  }
0x58: {  	vm0 =	veq.f32 v7, v2;
	v20 =	vmul.f32 $1.442695020e+00, v20;
	(erf) = vpow2.f32 v12  }
0x59: {  	v43 =	vsub.f32 v14, v2;
	v12 =	vmul.f32 $1.442695020e+00, v37;
	(erf) = vpow2.f32 v36  }
0x5a: {  	v40 =	vsub.f32 v1, v2;
	v44 =	vsub.f32 v22, v31;
	(erf) = vpow2.f32 v20  }
0x5b: {  	v33 =	vmul.f32 $1.442695020e+00, v43;
	v45 =	vsub.f32 v29, v31;
	(erf) = vpow2.f32 v12  }
0x5c: {  	v42 =	vsub.f32 v3, v2;
	v9 =	vsub.f32 v9, v2;
	v20 =	vmul.f32 $1.442695020e+00, v44  }
0x5d: {  	v7 =	vsub.f32 v7, v2;
	(erf) = vpow2.f32 v33;
	v48 =	vmul.f32 $1.442695020e+00, v45;
	v46 =	vpop (erf)  }
0x5e: {  	v9 =	vmul.f32 $1.442695020e+00, v9;
	(erf) = vpow2.f32 v20;
	v47 =	vadd.f32 $0.0e+00, v46;
	v15 =	vpop (erf)  }
0x5f: {  	v12 =	vmul.f32 $1.442695020e+00, v40;
	(erf) = vpow2.f32 v48;
	v15 =	vsel vm5, $0x0, v15  }
0x60: {  	(erf) = vpow2.f32 v9;
	v20 =	vsel vm4, $0x0, v47;
	vm4 =	veq.f32 v16, v31;
	v16 =	vpop (erf)  }
0x61: {  	v23 =	vmul.f32 $1.442695020e+00, v42;
	v9 =	vld.idx.msk [tilespmem:v25+s2+$0x0], $0xffff;
	(erf) = vpow2.f32 v12;
	v15 =	vadd.f32 v15, v20;
	v25 =	vpop (erf)  }
0x62: {  	v16 =	vsel vm4, $0x0, v16;
	v20 =	vmul.f32 $1.442695020e+00, v7;
	v7 =	vld.idx.msk [tilespmem:v28+s2+$0x0], $0xffff;
	vm4 =	veq.f32 v13, v31;
	v13 =	vpop (erf)  }
0x63: {  	v15 =	vadd.f32 v16, v15;
	v13 =	vsel vm4, $0x0, v13;
	vm4 =	veq.f32 v14, v2;
	v14 =	vpop (erf);
	v16 =	vld.idx.msk [tilespmem:v21+s2+$0x0], $0xffff  }
0x64: {  	vm5 =	veq.f32 v10, v31;
	v12 =	vld.idx.msk [tilespmem:v18+s2+$0x0], $0xffff;
	(erf) = vpow2.f32 v23;
	v10 =	vpop (erf);
	v14 =	vadd.f32 $0.0e+00, v14  }
0x65: {  	(erf) = vpow2.f32 v20;
	v20 =	vld.idx.msk [tilespmem:v63+s2+$0x0], $0xffff;
	v13 =	vadd.f32 v13, v15;
	v10 =	vsel vm5, $0x0, v10  }
0x66: {  	v15 =	vld.idx.msk [tilespmem:v17+s2+$0x0], $0xffff;
	v17 =	vsel vm3, $0x0, v25;
	v18 =	vpop (erf);
	vm3 =	veq.f32 v22, v31;
	v14 =	vsel vm2, $0x0, v14  }
0x67: {  	v21 =	vld.idx.msk [tilespmem:v30+s2+$0x0], $0xffff;
	v22 =	vsub.f32 v9, v7;
	v10 =	vadd.f32 v10, v13;
	v13 =	vsel vm4, $0x0, v18;
	v18 =	vpop (erf)  }
0x68: {  	v18 =	vsel vm3, $0x0, v18;
	v13 =	vadd.f32 v13, v14;
	v23 =	vsub.f32 v16, v7  }
0x69: {  	vm2 =	veq.f32 v29, v31;
	v22 =	vmul.f32 $1.442695020e+00, v22;
	v10 =	vadd.f32 v18, v10;
	v14 =	vpop (erf);
	v18 =	vld.idx.msk [tilespmem:v26+s2+$0x0], $0xffff  }
0x6a: {  	v11 =	vld.idx.msk [tilespmem:v11+s2+$0x0], $0xffff;
	v14 =	vsel vm2, $0x0, v14;
	v25 =	vpop (erf);
	v13 =	vadd.f32 v17, v13;
	v23 =	vmul.f32 $1.442695020e+00, v23  }
0x6b: {  	v10 =	vadd.f32 v14, v10;
	v14 =	vsel vm1, $0x0, v25;
	v25 =	vsub.f32 v15, v7  }
0x6c: {  	v17 =	vld.idx.msk [tilespmem:v27+s2+$0x0], $0xffff;
	(erf) = vpow2.f32 v22;
	vm2 =	veq.f32 v15, v7;
	v15 =	vsub.f32 v20, v21  }
0x6d: {  	v6 =	vld.idx.msk [tilespmem:v6+s2+$0x0], $0xffff;
	vm3 =	veq.f32 v9, v7;
	vm4 =	veq.f32 v16, v7;
	v9 =	vmul.f32 $1.442695020e+00, v25  }
0x6e: {  	v22 =	vld.idx.msk [tilespmem:v24+s2+$0x0], $0xffff;
	(erf) = vpow2.f32 v23;
	v15 =	vmul.f32 $1.442695020e+00, v15;
	v16 =	vsub.f32 v18, v21  }
0x6f: {  	v8 =	vld.idx.msk [tilespmem:v8+s2+$0x0], $0xffff;
	v24 =	vsub.f32 v11, v7;
	(erf) = vpow2.f32 v9  }
0x70: {  	v19 =	vld.idx.msk [tilespmem:v19+s2+$0x0], $0xffff;
	vm1 =	veq.f32 v12, v7;
	v12 =	vsub.f32 v12, v7;
	v9 =	vmul.f32 $1.442695020e+00, v16  }
0x71: {  	v16 =	vsub.f32 v17, v21;
	(erf) = vpow2.f32 v15  }
0x72: {  	v5 =	vld.idx.msk [tilespmem:v5+s2+$0x0], $0xffff;
	v27 =	vsub.f32 v6, v7;
	v24 =	vmul.f32 $1.442695020e+00, v24;
	v12 =	vmul.f32 $1.442695020e+00, v12;
	v15 =	vpop (erf)  }
0x73: {  	v26 =	vsub.f32 v22, v21;
	v25 =	vpop (erf);
	v16 =	vmul.f32 $1.442695020e+00, v16;
	(erf) = vpow2.f32 v9  }
0x74: {  	v23 =	vsub.f32 v8, v7;
	v27 =	vmul.f32 $1.442695020e+00, v27;
	(erf) = vpow2.f32 v12;
	v9 =	vpop (erf)  }
0x75: {  	v4 =	vld.idx.msk [tilespmem:v4+s2+$0x0], $0xffff;
	v12 =	vmul.f32 $1.442695020e+00, v26;
	v26 =	vsub.f32 v19, v21;
	(erf) = vpow2.f32 v16;
	v28 =	vpop (erf)  }
0x76: {  	v23 =	vmul.f32 $1.442695020e+00, v23;
	(erf) = vpow2.f32 v24;
	v16 =	vadd.f32 $0.0e+00, v28  }
0x77: {  	v24 =	vmul.f32 $1.442695020e+00, v26;
	v26 =	vsub.f32 v5, v21;
	v28 =	vpop (erf);
	(erf) = vpow2.f32 v12  }
0x78: {  	(erf) = vpow2.f32 v27;
	v12 =	vsel vm3, $0x0, v16;
	v16 =	vsel vm4, $0x0, v28;
	v28 =	vpop (erf)  }
0x79: {  	(erf) = vpow2.f32 v24;
	v12 =	vadd.f32 v16, v12;
	v16 =	vsel vm2, $0x0, v28  }
0x7a: {  	v27 =	vsub.f32 v4, v21;
	(erf) = vpow2.f32 v23;
	v23 =	vpop (erf)  }
0x7b: {  	v26 =	vmul.f32 $1.442695020e+00, v26;
	vm3 =	veq.f32 v18, v21;
	v23 =	vadd.f32 $0.0e+00, v23  }
0x7c: {  	v24 =	vmul.f32 $1.442695020e+00, v27;
	vm2 =	veq.f32 v20, v21;
	v12 =	vadd.f32 v16, v12;
	v16 =	vpop (erf)  }
0x7d: {  	(erf) = vpow2.f32 v26;
	v18 =	vsel vm2, $0x0, v23;
	v16 =	vsel vm3, $0x0, v16;
	v20 =	vpop (erf)  }
0x7e: {  	v20 =	vsel vm1, $0x0, v20;
	v16 =	vadd.f32 v16, v18;
	vm1 =	veq.f32 v17, v21;
	v17 =	vpop (erf)  }
0x7f: {  	vm2 =	veq.f32 v11, v7;
	(erf) = vpow2.f32 v24;
	v11 =	vsel vm1, $0x0, v17  }
0x80: {  	v11 =	vadd.f32 v11, v16  }
0x81: {  	v12 =	vadd.f32 v20, v12;
	v17 =	vpop (erf)  }
0x82: {  	vm1 =	veq.f32 v22, v21;
	v17 =	vsel vm2, $0x0, v17;
	v16 =	vpop (erf)  }
0x83: {  	vm2 =	veq.f32 v6, v7;
	v12 =	vadd.f32 v17, v12;
	v6 =	vsel vm1, $0x0, v16;
	v16 =	vpop (erf)  }
0x84: {  	vm1 =	veq.f32 v19, v21;
	v16 =	vsel vm2, $0x0, v16;
	v6 =	vadd.f32 v6, v11;
	v11 =	vpop (erf)  }
0x85: {  	vm2 =	veq.f32 v8, v7;
	v12 =	vadd.f32 v16, v12;
	v7 =	vsel vm1, $0x0, v11;
	v8 =	vpop (erf)  }
0x86: {  	vm1 =	veq.f32 v5, v21;
	v8 =	vsel vm2, $0x0, v8;
	v6 =	vadd.f32 v7, v6;
	v5 =	vpop (erf)  }
0x87: {  	v7 =	vadd.f32 v8, v12;
	v8 =	vadd.f32 v14, v13;
	v5 =	vsel vm1, $0x0, v5  }
0x88: {  	v9 =	vsel vm0, $0x0, v9;
	vm0 =	veq.f32 v4, v21;
	v4 =	vpop (erf);
	v5 =	vadd.f32 v5, v6  }
0x89: {  	vm1 =	veq.f32 v3, v2;
	v3 =	vsel vm0, $0x0, v4;
	v6 =	vadd.f32 v9, v8  }
0x8a: {  	(xrf2) =	vadd.scan.msk.f32 $0xffff, v10;
	v4 =	vsel vm1, $0x0, v25;
	v3 =	vadd.f32 v3, v5  }
0x8b: {  	vm0 =	veq.f32 v1, v2;
	(xrf2) =	vadd.scan.msk.f32 $0xffff, v7;
	v4 =	vadd.f32 v4, v6  }
0x8c: {  	v1 =	vsel vm0, $0x0, v15;
	(xrf2) =	vadd.scan.msk.f32 $0xffff, v3  }
0x8d: {  	v1 =	vadd.f32 v1, v4;
	_ =	sdelay $0x1  }
0x8e: {  	(xrf2) =	vadd.scan.msk.f32 $0xffff, v1;
	_ =	sdelay $0x4  }
0x8f: {  	v1, _, _ =	vpop (xrf2)  }
0x90: {  	v2, _, _ =	vpop (xrf2)  }
0x91: {  	v3, _, _ =	vpop (xrf2)  }
0x92: {  	(v2sf) =	vpush v3, $0xF  }
0x93: {  	(v2sf) =	vpush v2, $0xF  }
0x94: {  	(v2sf) =	vpush v1, $0xF;
	v1, _, _ =	vpop (xrf2)  }
0x95: {  	(v2sf) =	vpush v1, $0xF;
	_ =	sdelay $0xb  }
0x96: {  	s22 =	spop (v2sf)  }
0x97: {  	s20 =	sadd.f32 $1.000000000e+00, s22;
	s23 =	spop (v2sf)  }
0x98: {  	v1 =	vadd.s32 s2, v0;
	s21 =	sadd.f32 $1.000000000e+00, s23;
	s24 =	spop (v2sf)  }
0x99: {  	vm0 =	veq.s32 v0, $0x0;
	s22 =	sadd.f32 $1.000000000e+00, s24;
	v2 =	vmov s20;
	s25 =	spop (v2sf)  }
0x9a: {  	vm1 =	veq.s32 v0, $0x1;
	s20 =	sadd.f32 $1.000000000e+00, s25;
	v2 =	vsel vm0, s21, v2  }
0x9b: {  	vm2 =	veq.s32 v0, $0x2;
	v2 =	vsel vm1, s22, v2  }
0x9c: {  	v2 =	vsel vm2, s20, v2  }
0x9d: {  	s21 =	simm.s32 $0x82A0;
	[tilespmem:v1+s18+$0x0] =	vst.idx.msk $0xf, v2  }
0x9e: {  	v1 =	vld [tilespmem:s21+$0x60]  }
0x9f: {  	v2 =	vld [tilespmem:s21+$0x40]  }
0xa0: {  	v3 =	vld [tilespmem:s21+$0x30]  }
0xa1: {  	v4 =	vld [tilespmem:s21+$0x20]  }
0xa2: {  	v5 =	vld [tilespmem:s21+$0x50]  }
0xa3: {  	v6 =	vld [tilespmem:s21+$0xFFFFFFF0]  }
0xa4: {  	v7 =	vld [tilespmem:s21+$0xFFFFFF80]  }
0xa5: {  	v10 =	vld [tilespmem:s21+$0xFFFFFF70]  }
0xa6: {  	v11 =	vld [tilespmem:s21+$0xD0]  }
0xa7: {  	s20 =	simm.s32 $0x300;
	v8 =	vld [tilespmem:s21+$0xFFFFFFC0]  }
0xa8: {  	v13 =	vld [tilespmem:s21+$0xFFFFFF60];
	v4 =	vadd.s32 s20, v4  }
0xa9: {  	v9 =	vld [tilespmem:s21+$0xFFFFFF90]  }
0xaa: {  	v15 =	vld [tilespmem:s21+$0xC0]  }
0xab: {  	v18 =	vld [tilespmem:s21+$0x10]  }
0xac: {  	v12 =	vld [tilespmem:s21+$0xFFFFFFB0]  }
0xad: {  	v22 =	vld.idx.msk [tilespmem:v4+s2+$0x0], $0xffff  }
0xae: {  	v4 =	vld [tilespmem:s21+$0xFFFFFFA0]  }
0xaf: {  	v19 =	vld [tilespmem:s21+$0xFFFFFF50]  }
0xb0: {  	v20 =	vld [tilespmem:s21+$0xB0];
	v3 =	vadd.s32 s20, v3  }
0xb1: {  	v17 =	vld [tilespmem:s21+$0x0]  }
0xb2: {  	s26 =	simm.s32 $0x280;
	v21 =	vld [tilespmem:s21+$0xFFFFFF40]  }
0xb3: {  	s22 =	sadd.s32 $0x204, s11;
	v24 =	vld [tilespmem:s21+$0xA0];
	v4 =	vadd.s32 s26, v4  }
0xb4: {  	s28 =	sadd.s32 s22, s10;
	v28 =	vld [tilespmem:s21+$0x90]  }
0xb5: {  	s25 =	sadd.s32 $0x81, s28;
	v9 =	vadd.s32 s26, v9;
	v49 =	vld.idx.msk [tilespmem:v3+s2+$0x0], $0xffff  }
0xb6: {  	v14 =	vmov s25;
	v2 =	vadd.s32 s20, v2;
	v3 =	vld [tilespmem:s21+$0xFFFFFFD0]  }
0xb7: {  	v29 =	vld [tilespmem:s21+$0xFFFFFF20];
	v16 =	vand.u32 $0xFFFFFEFD, v14  }
0xb8: {  	s29 =	sadd.s32 $0x102, s28;
	v26 =	vadd.s32 s26, v12;
	v14 =	vld.idx.msk [tilespmem:v4+s2+$0x0], $0xffff;
	v4 =	vbroadcast v16, $0x0  }
0xb9: {  	v23 =	vmov s29;
	v51 =	vld [tilespmem:s21+$0x80]  }
0xba: {  	v16 =	vld.idx.msk [tilespmem:v9+s2+$0x0], $0xffff;
	v9 =	vand.u32 $0xFFFFFF7E, v23  }
0xbb: {  	v27 =	vld.idx.msk [tilespmem:v2+s2+$0x0], $0xffff;
	v38 =	vadd.s32 s26, v3;
	v25 =	vbroadcast v9, $0x0  }
0xbc: {  	s24 =	sadd.s32 $0x183, s28;
	v1 =	vadd.s32 s20, v1;
	v2 =	vld [tilespmem:s21+$0xFFFFFFE0]  }
0xbd: {  	v31 =	vadd.s32 s20, v17;
	v12 =	vmov s24;
	v26 =	vld.idx.msk [tilespmem:v26+s2+$0x0], $0xffff;
	v9 =	vmov s28  }
0xbe: {  	s30 =	simm.s32 $0x200;
	v50 =	vadd.s32 s20, v5;
	v53 =	vadd.s32 s26, v6;
	v30 =	vand.u32 $0xFFFFFE7C, v9;
	v9 =	vld.idx.msk [tilespmem:v4+s2+$0x0], $0xffff  }
0xbf: {  	s31 =	simm.s32 $0x380;
	v6 =	vadd.s32 s30, v10;
	v23 =	vld [tilespmem:s21+$0xFFFFFF30];
	v17 =	vbroadcast v30, $0x0;
	v30 =	vadd.s32 s26, v8  }
0xc0: {  	v10 =	vadd.s32 s30, v13;
	v4 =	vadd.s32 s31, v11;
	v11 =	vadd.s32 s31, v24;
	v24 =	vld.idx.msk [tilespmem:v38+s2+$0x0], $0xffff  }
0xc1: {  	v39 =	vadd.s32 s20, v18;
	v5 =	vadd.s32 s31, v15;
	v52 =	vadd.s32 s26, v2;
	v2 =	vld.idx.msk [tilespmem:v25+s2+$0x0], $0xffff  }
0xc2: {  	v18 =	vadd.s32 s30, v21;
	v21 =	vadd.s32 s30, v19;
	v15 =	vadd.s32 s31, v51;
	v1 =	vld.idx.msk [tilespmem:v1+s2+$0x0], $0xffff  }
0xc3: {  	v13 =	vadd.s32 s31, v28;
	v31 =	vld.idx.msk [tilespmem:v31+s2+$0x0], $0xffff;
	v8 =	vadd.s32 s30, v7;
	v19 =	vsub.f32 v16, v9  }
0xc4: {  	v7 =	vadd.s32 s31, v20;
	v20 =	vadd.s32 s30, v23;
	v25 =	vld.idx.msk [tilespmem:v30+s2+$0x0], $0xffff;
	v30 =	vadd.s32 s30, v29  }
0xc5: {  	v28 =	vsub.f32 v14, v9;
	v55 =	vsub.f32 v26, v9;
	v23 =	vmul.f32 $1.442695020e+00, v19  }
0xc6: {  	v54 =	vld [tilespmem:s21+$0x70];
	v60 =	vsub.f32 v24, v9;
	vm6 =	veq.f32 v22, v2;
	vm4 =	veq.f32 v49, v2  }
0xc7: {  	v29 =	vld.idx.msk [tilespmem:v39+s2+$0x0], $0xffff;
	vm3 =	veq.f32 v27, v2;
	v28 =	vmul.f32 $1.442695020e+00, v28;
	(erf) = vpow2.f32 v23  }
0xc8: {  	vm5 =	veq.f32 v31, v2;
	v56 =	vsub.f32 v22, v2;
	v57 =	vsub.f32 v1, v2;
	v23 =	vld.idx.msk [tilespmem:v52+s2+$0x0], $0xffff  }
0xc9: {  	v3 =	vld.idx.msk [tilespmem:v50+s2+$0x0], $0xffff;
	v32 =	vmul.f32 $1.442695020e+00, v55;
	v58 =	vsub.f32 v25, v9;
	(erf) = vpow2.f32 v28  }
0xca: {  	v22 =	vld.idx.msk [tilespmem:v53+s2+$0x0], $0xffff;
	v33 =	vsub.f32 v49, v2;
	v34 =	vmul.f32 $1.442695020e+00, v56;
	v28 =	vsub.f32 v31, v2  }
0xcb: {  	v19 =	vadd.s32 s31, v54;
	v59 =	vmul.f32 $1.442695020e+00, v58;
	(erf) = vpow2.f32 v32  }
0xcc: {  	v61 =	vmul.f32 $1.442695020e+00, v28;
	v28 =	vsub.f32 v29, v2;
	(erf) = vpow2.f32 v34  }
0xcd: {  	v37 =	vmul.f32 $1.442695020e+00, v60;
	(erf) = vpow2.f32 v59;
	v62 =	vsub.f32 v23, v9  }
0xce: {  	v31 =	vsub.f32 v3, v2;
	v63 =	vmul.f32 $1.442695020e+00, v28;
	(erf) = vpow2.f32 v61  }
0xcf: {  	v34 =	vsub.f32 v22, v9;
	(erf) = vpow2.f32 v37;
	v32 =	vmul.f32 $1.442695020e+00, v62  }
0xd0: {  	s23 =	simm.s32 $0x400;
	s20 =	simm.s32 $0x0;
	v28 =	vsub.f32 v27, v2;
	v27 =	vmul.f32 $1.442695020e+00, v57;
	v35 =	vpop (erf);
	(erf) = vpow2.f32 v63  }
.LBB2_2:
0xd1: {  	p0 =	sne.s32 s23, $0x1E00;
	v35 =	vadd.f32 $0.0e+00, v35;
	v34 =	vmul.f32 $1.442695020e+00, v34;
	(erf) = vpow2.f32 v32  }
0xd2: {  	vm7 =	veq.f32 v16, v9;
	vm8 =	veq.f32 v14, v9;
	v14 =	vmul.f32 $1.442695020e+00, v33;
	v16 =	vpop (erf)  }
0xd3: {  	v32 =	vsel vm7, $0x0, v35;
	v16 =	vsel vm8, $0x0, v16;
	(erf) = vpow2.f32 v34  }
0xd4: {  	vm7 =	veq.f32 v26, v9;
	v30 =	vld.idx.msk [tilespmem:v30+s2+$0x0], $0xffff;
	v16 =	vadd.f32 v16, v32;
	v26 =	vpop (erf);
	(erf) = vpow2.f32 v14  }
0xd5: {  	v14 =	vld.idx.msk [tilespmem:v17+s2+$0x0], $0xffff;
	v32 =	vsel vm7, $0x0, v26;
	v26 =	vmul.f32 $1.442695020e+00, v28;
	v28 =	vmul.f32 $1.442695020e+00, v31;
	v31 =	vpop (erf)  }
0xd6: {  	vm7 =	veq.f32 v25, v9;
	v21 =	vld.idx.msk [tilespmem:v21+s2+$0x0], $0xffff;
	v16 =	vadd.f32 v32, v16;
	v17 =	vpop (erf);
	(erf) = vpow2.f32 v27  }
0xd7: {  	v20 =	vld.idx.msk [tilespmem:v20+s2+$0x0], $0xffff;
	v27 =	vsel vm7, $0x0, v17;
	vm7 =	veq.f32 v29, v2;
	v25 =	vpop (erf);
	(erf) = vpow2.f32 v28  }
0xd8: {  	vm8 =	veq.f32 v24, v9;
	v18 =	vld.idx.msk [tilespmem:v18+s2+$0x0], $0xffff;
	v16 =	vadd.f32 v27, v16;
	v17 =	vpop (erf);
	(erf) = vpow2.f32 v26  }
0xd9: {  	v24 =	vadd.f32 $0.0e+00, v25;
	v25 =	vsel vm6, $0x0, v31;
	v17 =	vsel vm8, $0x0, v17;
	v19 =	vld.idx.msk [tilespmem:v19+s2+$0x0], $0xffff;
	v26 =	vpop (erf)  }
0xda: {  	vm6 =	veq.f32 v23, v9;
	v16 =	vadd.f32 v17, v16;
	v27 =	vsel vm7, $0x0, v26;
	v12 =	vld.idx.msk [tilespmem:v12+s2+$0x0], $0xffff;
	v23 =	vpop (erf)  }
0xdb: {  	v26 =	vsub.f32 v30, v14;
	v24 =	vsel vm5, $0x0, v24;
	v23 =	vsel vm6, $0x0, v23  }
0xdc: {  	vm5 =	veq.f32 v22, v9;
	v9 =	vadd.f32 v27, v24;
	v16 =	vadd.f32 v23, v16;
	v15 =	vld.idx.msk [tilespmem:v15+s2+$0x0], $0xffff;
	v17 =	vpop (erf)  }
0xdd: {  	v27 =	vmul.f32 $1.442695020e+00, v26;
	v23 =	vsub.f32 v20, v14;
	v24 =	vld.idx.msk [tilespmem:v8+s2+$0x0], $0xffff;
	v26 =	vsel vm5, $0x0, v17;
	v17 =	vpop (erf)  }
0xde: {  	v9 =	vadd.f32 v25, v9;
	v16 =	vadd.f32 v26, v16;
	v17 =	vsel vm4, $0x0, v17;
	v13 =	vld.idx.msk [tilespmem:v13+s2+$0x0], $0xffff  }
0xdf: {  	v25 =	vsub.f32 v18, v14;
	v26 =	vmul.f32 $1.442695020e+00, v23;
	v10 =	vld.idx.msk [tilespmem:v10+s2+$0x0], $0xffff;
	(erf) = vpow2.f32 v27;
	v8 =	vpop (erf)  }
0xe0: {  	vm5 =	veq.f32 v18, v14;
	vm4 =	veq.f32 v21, v14;
	v18 =	vsub.f32 v19, v12;
	v11 =	vld.idx.msk [tilespmem:v11+s2+$0x0], $0xffff;
	v22 =	vpop (erf)  }
0xe1: {  	vm6 =	veq.f32 v30, v14;
	v25 =	vmul.f32 $1.442695020e+00, v25;
	v6 =	vld.idx.msk [tilespmem:v6+s2+$0x0], $0xffff;
	(erf) = vpow2.f32 v26;
	v23 =	vpop (erf)  }
0xe2: {  	vm7 =	veq.f32 v20, v14;
	v18 =	vmul.f32 $1.442695020e+00, v18;
	v20 =	vsub.f32 v15, v12;
	v7 =	vld.idx.msk [tilespmem:v7+s2+$0x0], $0xffff  }
0xe3: {  	v21 =	vsub.f32 v21, v14;
	v26 =	vsub.f32 v24, v14;
	(erf) = vpow2.f32 v25  }
0xe4: {  	v20 =	vmul.f32 $1.442695020e+00, v20;
	v25 =	vsub.f32 v13, v12;
	v5 =	vld.idx.msk [tilespmem:v5+s2+$0x0], $0xffff;
	(erf) = vpow2.f32 v18  }
0xe5: {  	v18 =	vmul.f32 $1.442695020e+00, v21;
	v21 =	vsub.f32 v10, v14;
	v26 =	vmul.f32 $1.442695020e+00, v26  }
0xe6: {  	v25 =	vmul.f32 $1.442695020e+00, v25;
	v27 =	vsub.f32 v11, v12;
	v4 =	vld.idx.msk [tilespmem:v4+s2+$0x0], $0xffff;
	(erf) = vpow2.f32 v20  }
0xe7: {  	v20 =	vmul.f32 $1.442695020e+00, v21;
	v21 =	vsub.f32 v6, v14;
	(erf) = vpow2.f32 v18  }
0xe8: {  	v18 =	vmul.f32 $1.442695020e+00, v27;
	v27 =	vsub.f32 v7, v12;
	v28 =	vpop (erf);
	(erf) = vpow2.f32 v25  }
0xe9: {  	v21 =	vmul.f32 $1.442695020e+00, v21;
	v25 =	vadd.f32 $0.0e+00, v28;
	(erf) = vpow2.f32 v20  }
0xea: {  	v20 =	vmul.f32 $1.442695020e+00, v27;
	v27 =	vsub.f32 v5, v12;
	v28 =	vpop (erf);
	(erf) = vpow2.f32 v18  }
0xeb: {  	v18 =	vsel vm6, $0x0, v25;
	v29 =	vsel vm7, $0x0, v28;
	(erf) = vpow2.f32 v21  }
0xec: {  	v21 =	vmul.f32 $1.442695020e+00, v27;
	v27 =	vsub.f32 v4, v12;
	v28 =	vpop (erf);
	(erf) = vpow2.f32 v20  }
0xed: {  	v18 =	vadd.f32 v29, v18;
	v20 =	vsel vm5, $0x0, v28;
	(erf) = vpow2.f32 v26;
	v25 =	vpop (erf)  }
0xee: {  	v26 =	vmul.f32 $1.442695020e+00, v27;
	v25 =	vadd.f32 $0.0e+00, v25;
	(erf) = vpow2.f32 v21  }
0xef: {  	vm6 =	veq.f32 v15, v12;
	vm5 =	veq.f32 v19, v12;
	v18 =	vadd.f32 v20, v18;
	v15 =	vpop (erf)  }
0xf0: {  	v19 =	vsel vm5, $0x0, v25;
	v15 =	vsel vm6, $0x0, v15;
	v20 =	vpop (erf);
	(erf) = vpow2.f32 v26  }
0xf1: {  	v20 =	vsel vm4, $0x0, v20;
	v15 =	vadd.f32 v15, v19;
	vm4 =	veq.f32 v13, v12;
	v13 =	vpop (erf)  }
0xf2: {  	vm5 =	veq.f32 v10, v14;
	v18 =	vadd.f32 v20, v18;
	v10 =	vsel vm4, $0x0, v13;
	v13 =	vpop (erf)  }
0xf3: {  	vm4 =	veq.f32 v11, v12;
	v13 =	vsel vm5, $0x0, v13;
	v10 =	vadd.f32 v10, v15;
	v11 =	vpop (erf)  }
0xf4: {  	vm5 =	veq.f32 v6, v14;
	v13 =	vadd.f32 v13, v18;
	v6 =	vsel vm4, $0x0, v11;
	v11 =	vpop (erf)  }
0xf5: {  	vm4 =	veq.f32 v7, v12;
	v15 =	vsel vm5, $0x0, v11;
	v6 =	vadd.f32 v6, v10;
	v7 =	vpop (erf)  }
0xf6: {  	vm5 =	veq.f32 v24, v14;
	v10 =	vadd.f32 v15, v13;
	v7 =	vsel vm4, $0x0, v7;
	v11 =	vpop (erf)  }
0xf7: {  	vm4 =	veq.f32 v5, v12;
	v11 =	vsel vm5, $0x0, v11;
	v6 =	vadd.f32 v7, v6;
	(xrf2) =	vadd.scan.msk.f32 $0xffff, v16;
	v5 =	vpop (erf)  }
0xf8: {  	v9 =	vadd.f32 v17, v9;
	v7 =	vadd.f32 v11, v10;
	v5 =	vsel vm4, $0x0, v5  }
0xf9: {  	v10 =	vsel vm3, $0x0, v23;
	vm3 =	veq.f32 v4, v12;
	v5 =	vadd.f32 v5, v6;
	v4 =	vpop (erf)  }
0xfa: {  	vm4 =	veq.f32 v3, v2;
	v6 =	vadd.f32 v10, v9;
	v3 =	vsel vm3, $0x0, v4;
	(xrf2) =	vadd.scan.msk.f32 $0xffff, v7  }
0xfb: {  	v4 =	vsel vm4, $0x0, v22;
	v3 =	vadd.f32 v3, v5  }
0xfc: {  	vm3 =	veq.f32 v1, v2;
	v4 =	vadd.f32 v4, v6  }
0xfd: {  	v1 =	vsel vm3, $0x0, v8;
	(xrf2) =	vadd.scan.msk.f32 $0xffff, v3  }
0xfe: {  	v2 =	vadd.f32 v1, v4;
	_ =	sdelay $0x1  }
0xff: {  	(xrf2) =	vadd.scan.msk.f32 $0xffff, v2  }
0x100: {  	v1, _, _ =	vpop (xrf2);
	_ =	sdelay $0x2  }
0x101: {  	v2, _, _ =	vpop (xrf2);
	_ =	sdelay $0x2  }
0x102: {  	v3, _, _ =	vpop (xrf2)  }
0x103: {  	(v2sf) =	vpush v3, $0xF  }
0x104: {  	(v2sf) =	vpush v2, $0xF  }
0x105: {  	(v2sf) =	vpush v1, $0xF;
	v1, _, _ =	vpop (xrf2)  }
0x106: {  	(v2sf) =	vpush v1, $0xF;
	_ =	sdelay $0xb  }
0x107: {  	s24 =	spop (v2sf)  }
0x108: {  	s20 =	sadd.s32 $0x4, s20;
	s24 =	sadd.f32 $1.000000000e+00, s24;
	s25 =	spop (v2sf)  }
0x109: {  	v1 =	vadd.s32 s20, v0;
	s25 =	sadd.f32 $1.000000000e+00, s25;
	s26 =	spop (v2sf)  }
0x10a: {  	s26 =	sadd.f32 $1.000000000e+00, s26;
	v2 =	vmov s24;
	s24 =	spop (v2sf)  }
0x10b: {  	s24 =	sadd.f32 $1.000000000e+00, s24;
	v2 =	vsel vm0, s25, v2  }
0x10c: {  	v2 =	vsel vm1, s26, v2  }
0x10d: {  	v2 =	vsel vm2, s24, v2  }
0x10e: {  	s21 =	sadd.s32 $0x1C0, s21;
	[tilespmem:v1+s18+$0x0] =	vst.idx.msk $0xf, v2  }
0x10f: {  	v1 =	vld [tilespmem:s21+$0x60];
	_ =	sdelay $0x3  }
0x110: {  	s24 =	sadd.s32 $0x100, s23;
	v2 =	vld [tilespmem:s21+$0x40]  }
0x111: {  	v1 =	vadd.s32 s24, v1;
	_ =	sdelay $0x1  }
0x112: {  	v3 =	vld [tilespmem:s21+$0x30];
	_ =	sdelay $0x1  }
0x113: {  	v2 =	vadd.s32 s24, v2  }
0x114: {  	v1 =	vld.idx.msk [tilespmem:v1+s2+$0x0], $0xffff  }
0x115: {  	v4 =	vld [tilespmem:s21+$0x20]  }
0x116: {  	v3 =	vadd.s32 s24, v3;
	v5 =	vld [tilespmem:s21+$0x50]  }
0x117: {  	v6 =	vld [tilespmem:s21+$0xFFFFFFF0]  }
0x118: {  	v28 =	vld.idx.msk [tilespmem:v2+s2+$0x0], $0xffff  }
0x119: {  	v2 =	vld [tilespmem:s21+$0xFFFFFFE0]  }
0x11a: {  	v7 =	vld [tilespmem:s21+$0xFFFFFF80];
	v4 =	vadd.s32 s24, v4  }
0x11b: {  	v27 =	vld.idx.msk [tilespmem:v3+s2+$0x0], $0xffff  }
0x11c: {  	v3 =	vld [tilespmem:s21+$0xFFFFFFD0]  }
0x11d: {  	v10 =	vld [tilespmem:s21+$0xFFFFFF70]  }
0x11e: {  	v11 =	vld [tilespmem:s21+$0xD0]  }
0x11f: {  	v22 =	vld.idx.msk [tilespmem:v4+s2+$0x0], $0xffff  }
0x120: {  	v4 =	vld [tilespmem:s21+$0xFFFFFFA0]  }
0x121: {  	v8 =	vld [tilespmem:s21+$0xFFFFFFC0]  }
0x122: {  	v13 =	vld [tilespmem:s21+$0xFFFFFF60]  }
0x123: {  	v9 =	vld [tilespmem:s21+$0xFFFFFF90]  }
0x124: {  	s25 =	sadd.s32 $0x80, s23;
	v15 =	vld [tilespmem:s21+$0xC0]  }
0x125: {  	v4 =	vadd.s32 s25, v4;
	v18 =	vld [tilespmem:s21+$0x10]  }
0x126: {  	s22 =	sadd.s32 $0x204, s22;
	v12 =	vld [tilespmem:s21+$0xFFFFFFB0]  }
0x127: {  	s26 =	sadd.s32 s22, s10;
	v19 =	vld [tilespmem:s21+$0xFFFFFF50]  }
0x128: {  	s28 =	sadd.s32 $0x81, s26;
	v9 =	vadd.s32 s25, v9;
	v20 =	vld [tilespmem:s21+$0xB0]  }
0x129: {  	v14 =	vmov s28;
	v17 =	vld [tilespmem:s21+$0x0]  }
0x12a: {  	v16 =	vand.u32 $0xFFFFFEFD, v14;
	v14 =	vld.idx.msk [tilespmem:v4+s2+$0x0], $0xffff  }
0x12b: {  	s28 =	sadd.s32 $0x102, s26;
	v4 =	vbroadcast v16, $0x0;
	v21 =	vld [tilespmem:s21+$0xFFFFFF40]  }
0x12c: {  	v23 =	vmov s28;
	v24 =	vld [tilespmem:s21+$0xA0]  }
0x12d: {  	v16 =	vld.idx.msk [tilespmem:v9+s2+$0x0], $0xffff;
	v9 =	vand.u32 $0xFFFFFF7E, v23  }
0x12e: {  	v23 =	vld [tilespmem:s21+$0xFFFFFF30];
	v25 =	vbroadcast v9, $0x0  }
0x12f: {  	v29 =	vld [tilespmem:s21+$0x90]  }
0x130: {  	v26 =	vadd.s32 s25, v12;
	v9 =	vmov s26;
	s26 =	sadd.s32 $0x183, s26;
	v30 =	vld [tilespmem:s21+$0xFFFFFF20]  }
0x131: {  	v32 =	vadd.s32 s24, v17;
	v31 =	vand.u32 $0xFFFFFE7C, v9;
	v12 =	vmov s26;
	v9 =	vld.idx.msk [tilespmem:v4+s2+$0x0], $0xffff  }
0x132: {  	v33 =	vadd.s32 s24, v5;
	v17 =	vbroadcast v31, $0x0;
	v31 =	vadd.s32 s25, v8;
	v34 =	vld [tilespmem:s21+$0x80]  }
0x133: {  	v36 =	vadd.s32 s25, v6;
	v35 =	vadd.s32 s25, v2;
	s26 =	sadd.s32 $0x180, s23;
	v8 =	vadd.s32 s23, v7;
	v37 =	vld [tilespmem:s21+$0x70]  }
0x134: {  	v38 =	vadd.s32 s25, v3;
	v6 =	vadd.s32 s23, v10;
	v4 =	vadd.s32 s26, v11;
	v2 =	vld.idx.msk [tilespmem:v25+s2+$0x0], $0xffff  }
0x135: {  	v10 =	vadd.s32 s23, v13;
	v39 =	vadd.s32 s24, v18;
	v5 =	vadd.s32 s26, v15;
	v26 =	vld.idx.msk [tilespmem:v26+s2+$0x0], $0xffff  }
0x136: {  	v18 =	vadd.s32 s23, v21;
	v21 =	vadd.s32 s23, v19;
	v7 =	vadd.s32 s26, v20;
	v32 =	vld.idx.msk [tilespmem:v32+s2+$0x0], $0xffff  }
0x137: {  	v11 =	vadd.s32 s26, v24;
	v20 =	vadd.s32 s23, v23;
	v19 =	vsub.f32 v16, v9;
	v25 =	vld.idx.msk [tilespmem:v31+s2+$0x0], $0xffff  }
0x138: {  	v13 =	vadd.s32 s26, v29;
	v30 =	vadd.s32 s23, v30;
	v15 =	vadd.s32 s26, v34;
	v3 =	vld.idx.msk [tilespmem:v33+s2+$0x0], $0xffff  }
0x139: {  	v23 =	vsub.f32 v14, v9;
	v31 =	vmul.f32 $1.442695020e+00, v19;
	v19 =	vadd.s32 s26, v37;
	v24 =	vld.idx.msk [tilespmem:v38+s2+$0x0], $0xffff  }
0x13a: {  	vm6 =	veq.f32 v22, v2;
	vm4 =	veq.f32 v27, v2;
	vm3 =	veq.f32 v28, v2;
	v29 =	vld.idx.msk [tilespmem:v39+s2+$0x0], $0xffff  }
0x13b: {  	v33 =	vmul.f32 $1.442695020e+00, v23;
	v34 =	vsub.f32 v26, v9;
	v23 =	vld.idx.msk [tilespmem:v35+s2+$0x0], $0xffff;
	(erf) = vpow2.f32 v31  }
0x13c: {  	vm5 =	veq.f32 v32, v2;
	v31 =	vsub.f32 v22, v2;
	v35 =	vsub.f32 v1, v2  }
0x13d: {  	v34 =	vmul.f32 $1.442695020e+00, v34;
	v37 =	vsub.f32 v25, v9;
	v22 =	vld.idx.msk [tilespmem:v36+s2+$0x0], $0xffff;
	(erf) = vpow2.f32 v33  }
0x13e: {  	v32 =	vsub.f32 v32, v2;
	v33 =	vmul.f32 $1.442695020e+00, v31;
	v31 =	vsub.f32 v3, v2  }
0x13f: {  	v36 =	vmul.f32 $1.442695020e+00, v37;
	v37 =	vsub.f32 v24, v9;
	(erf) = vpow2.f32 v34  }
.Ltmp0:
0x140: {  	v32 =	vmul.f32 $1.442695020e+00, v32;
	v34 =	vsub.f32 v29, v2;
	(erf) = vpow2.f32 v33;
	(pc) =	sbr.rel @p0 .LBB2_2-.Ltmp0, $4  }
0x141: {  	v33 =	vmul.f32 $1.442695020e+00, v37;
	v37 =	vsub.f32 v23, v9;
	(erf) = vpow2.f32 v36  }
0x142: {  	v28 =	vsub.f32 v28, v2;
	v36 =	vmul.f32 $1.442695020e+00, v34;
	(erf) = vpow2.f32 v32  }
0x143: {  	v32 =	vmul.f32 $1.442695020e+00, v37;
	v34 =	vsub.f32 v22, v9;
	(erf) = vpow2.f32 v33  }
0x144: {  	s23 =	sadd.s32 $0x200, s23;
	v33 =	vsub.f32 v27, v2;
	v27 =	vmul.f32 $1.442695020e+00, v35;
	v35 =	vpop (erf);
	(erf) = vpow2.f32 v36  }
0x145: {  	_ =	sdelay $0x3  }
0x146: {  	v30 =	vld.idx.msk [tilespmem:v30+s2+$0x0], $0xffff  }
0x147: {  	vm1 =	veq.f32 v14, v9;
	v14 =	vld.idx.msk [tilespmem:v17+s2+$0x0], $0xffff  }
0x148: {  	v21 =	vld.idx.msk [tilespmem:v21+s2+$0x0], $0xffff  }
0x149: {  	v35 =	vadd.f32 $0.0e+00, v35;
	v34 =	vmul.f32 $1.442695020e+00, v34;
	v20 =	vld.idx.msk [tilespmem:v20+s2+$0x0], $0xffff  }
0x14a: {  	(erf) = vpow2.f32 v32;
	vm0 =	veq.f32 v16, v9;
	vm13 =	veq.f32 v26, v9;
	v18 =	vld.idx.msk [tilespmem:v18+s2+$0x0], $0xffff  }
0x14b: {  	v28 =	vmul.f32 $1.442695020e+00, v28;
	v31 =	vmul.f32 $1.442695020e+00, v31;
	vm14 =	veq.f32 v25, v9;
	v19 =	vld.idx.msk [tilespmem:v19+s2+$0x0], $0xffff;
	v63 =	vpop (erf)  }
0x14c: {  	vm15 =	veq.f32 v29, v2;
	v12 =	vld.idx.msk [tilespmem:v12+s2+$0x0], $0xffff;
	v36 =	vsel vm0, $0x0, v35;
	v16 =	vsel vm1, $0x0, v63  }
0x14d: {  	vm7 =	veq.f32 v24, v9;
	v15 =	vld.idx.msk [tilespmem:v15+s2+$0x0], $0xffff;
	v62 =	vmul.f32 $1.442695020e+00, v33;
	v16 =	vadd.f32 v16, v36;
	v37 =	vpop (erf)  }
0x14e: {  	vm8 =	veq.f32 v23, v9;
	v8 =	vld.idx.msk [tilespmem:v8+s2+$0x0], $0xffff;
	(erf) = vpow2.f32 v34;
	v26 =	vsel vm13, $0x0, v37  }
0x14f: {  	vm9 =	veq.f32 v22, v9;
	v13 =	vld.idx.msk [tilespmem:v13+s2+$0x0], $0xffff;
	(erf) = vpow2.f32 v62;
	v38 =	vpop (erf);
	v16 =	vadd.f32 v26, v16  }
0x150: {  	v10 =	vld.idx.msk [tilespmem:v10+s2+$0x0], $0xffff;
	v39 =	vpop (erf);
	(erf) = vpow2.f32 v27;
	v43 =	vsel vm6, $0x0, v38;
	v47 =	vsub.f32 v30, v14  }
0x151: {  	v11 =	vld.idx.msk [tilespmem:v11+s2+$0x0], $0xffff;
	v51 =	vsub.f32 v20, v14;
	v53 =	vsub.f32 v18, v14;
	vm10 =	veq.f32 v18, v14  }
0x152: {  	vm11 =	veq.f32 v21, v14;
	v54 =	vsub.f32 v19, v12;
	v56 =	vsub.f32 v15, v12  }
0x153: {  	v21 =	vsub.f32 v21, v14;
	v57 =	vsub.f32 v8, v14;
	v17 =	vsel vm14, $0x0, v39;
	v40 =	vpop (erf)  }
0x154: {  	v6 =	vld.idx.msk [tilespmem:v6+s2+$0x0], $0xffff;
	vm2 =	veq.f32 v30, v14;
	v58 =	vsub.f32 v13, v12;
	v16 =	vadd.f32 v17, v16;
	v41 =	vpop (erf)  }
0x155: {  	v7 =	vld.idx.msk [tilespmem:v7+s2+$0x0], $0xffff;
	v59 =	vsub.f32 v10, v14;
	(erf) = vpow2.f32 v31;
	v17 =	vsel vm7, $0x0, v41;
	v44 =	vpop (erf)  }
0x156: {  	v5 =	vld.idx.msk [tilespmem:v5+s2+$0x0], $0xffff;
	vm12 =	veq.f32 v20, v14;
	v60 =	vsub.f32 v11, v12;
	v16 =	vadd.f32 v17, v16;
	v46 =	vpop (erf)  }
0x157: {  	(erf) = vpow2.f32 v28;
	v50 =	vmul.f32 $1.442695020e+00, v47;
	v23 =	vsel vm8, $0x0, v46  }
0x158: {  	v55 =	vmul.f32 $1.442695020e+00, v53;
	v16 =	vadd.f32 v23, v16;
	v23 =	vmul.f32 $1.442695020e+00, v51  }
0x159: {  	v62 =	vsub.f32 v6, v14;
	v18 =	vmul.f32 $1.442695020e+00, v54;
	v49 =	vpop (erf);
	(erf) = vpow2.f32 v50  }
0x15a: {  	v32 =	vsub.f32 v7, v12;
	v20 =	vmul.f32 $1.442695020e+00, v56;
	(erf) = vpow2.f32 v23  }
0x15b: {  	v36 =	vsub.f32 v5, v12;
	v21 =	vmul.f32 $1.442695020e+00, v21;
	v52 =	vpop (erf);
	(erf) = vpow2.f32 v55  }
0x15c: {  	v42 =	vadd.f32 $0.0e+00, v40;
	v22 =	vmul.f32 $1.442695020e+00, v58;
	(erf) = vpow2.f32 v18  }
0x15d: {  	v4 =	vld.idx.msk [tilespmem:v4+s2+$0x0], $0xffff;
	vm13 =	veq.f32 v19, v12;
	v63 =	vmul.f32 $1.442695020e+00, v60;
	v27 =	vmul.f32 $1.442695020e+00, v62;
	v18 =	vpop (erf)  }
0x15e: {  	v45 =	vsel vm15, $0x0, v44;
	v24 =	vsel vm5, $0x0, v42;
	v25 =	vpop (erf);
	(erf) = vpow2.f32 v20  }
0x15f: {  	v48 =	vadd.f32 v45, v24;
	v24 =	vmul.f32 $1.442695020e+00, v59;
	(erf) = vpow2.f32 v21  }
0x160: {  	vm6 =	veq.f32 v6, v14;
	v35 =	vmul.f32 $1.442695020e+00, v32;
	(erf) = vpow2.f32 v22  }
0x161: {  	vm14 =	veq.f32 v15, v12;
	v26 =	vmul.f32 $1.442695020e+00, v36;
	v61 =	vpop (erf);
	(erf) = vpow2.f32 v24  }
0x162: {  	v40 =	vsub.f32 v4, v12;
	vm7 =	veq.f32 v7, v12;
	v33 =	vpop (erf);
	(erf) = vpow2.f32 v63  }
0x163: {  	v23 =	vmul.f32 $1.442695020e+00, v57;
	v34 =	vadd.f32 $0.0e+00, v33;
	v37 =	vpop (erf);
	(erf) = vpow2.f32 v27  }
0x164: {  	v44 =	vmul.f32 $1.442695020e+00, v40;
	vm15 =	veq.f32 v13, v12;
	v41 =	vpop (erf);
	(erf) = vpow2.f32 v35  }
0x165: {  	v9 =	vadd.f32 v43, v48;
	v38 =	vsel vm2, $0x0, v34;
	(erf) = vpow2.f32 v23;
	v43 =	vpop (erf)  }
0x166: {  	v39 =	vsel vm12, $0x0, v37;
	v23 =	vadd.f32 $0.0e+00, v43;
	(erf) = vpow2.f32 v26  }
0x167: {  	vm5 =	veq.f32 v11, v12;
	v17 =	vsel vm9, $0x0, v49;
	v21 =	vadd.f32 v39, v38;
	v45 =	vpop (erf)  }
0x168: {  	v15 =	vsel vm14, $0x0, v45;
	v46 =	vpop (erf);
	(erf) = vpow2.f32 v44;
	v19 =	vsel vm13, $0x0, v23  }
0x169: {  	v16 =	vadd.f32 v17, v16;
	v42 =	vsel vm10, $0x0, v41;
	v47 =	vpop (erf);
	v15 =	vadd.f32 v15, v19  }
0x16a: {  	v17 =	vsel vm4, $0x0, v52;
	v21 =	vadd.f32 v42, v21;
	v49 =	vsel vm15, $0x0, v47;
	v50 =	vpop (erf)  }
0x16b: {  	vm4 =	veq.f32 v10, v14;
	v22 =	vsel vm11, $0x0, v46;
	v51 =	vpop (erf);
	v10 =	vadd.f32 v49, v15  }
0x16c: {  	vm8 =	veq.f32 v8, v14;
	v48 =	vadd.f32 v22, v21;
	v52 =	vsel vm5, $0x0, v51;
	v53 =	vpop (erf)  }
0x16d: {  	vm9 =	veq.f32 v5, v12;
	v13 =	vsel vm4, $0x0, v50;
	v6 =	vadd.f32 v52, v10;
	v54 =	vpop (erf)  }
0x16e: {  	v59 =	vadd.f32 v17, v9;
	v13 =	vadd.f32 v13, v48;
	v7 =	vsel vm7, $0x0, v54;
	v56 =	vpop (erf)  }
0x16f: {  	v60 =	vsel vm3, $0x0, v61;
	v11 =	vsel vm6, $0x0, v53;
	v6 =	vadd.f32 v7, v6;
	v57 =	vpop (erf)  }
0x170: {  	v62 =	vadd.f32 v60, v59;
	v55 =	vadd.f32 v11, v13;
	v5 =	vsel vm9, $0x0, v57  }
0x171: {  	vm10 =	veq.f32 v4, v12;
	v8 =	vsel vm8, $0x0, v56;
	v61 =	vpop (erf);
	v5 =	vadd.f32 v5, v6  }
0x172: {  	vm11 =	veq.f32 v3, v2;
	v58 =	vadd.f32 v8, v55;
	v3 =	vsel vm10, $0x0, v61  }
0x173: {  	(xrf2) =	vadd.scan.msk.f32 $0xffff, v16;
	v63 =	vsel vm11, $0x0, v25;
	v3 =	vadd.f32 v3, v5  }
0x174: {  	vm12 =	veq.f32 v1, v2;
	v4 =	vadd.f32 v63, v62;
	(xrf2) =	vadd.scan.msk.f32 $0xffff, v58  }
0x175: {  	v1 =	vsel vm12, $0x0, v18;
	(xrf2) =	vadd.scan.msk.f32 $0xffff, v3  }
0x176: {  	v1 =	vadd.f32 v1, v4;
	_ =	sdelay $0x1  }
0x177: {  	(xrf2) =	vadd.scan.msk.f32 $0xffff, v1;
	_ =	sdelay $0x4  }
0x178: {  	v1, _, _ =	vpop (xrf2)  }
0x179: {  	v2, _, _ =	vpop (xrf2)  }
0x17a: {  	v3, _, _ =	vpop (xrf2)  }
0x17b: {  	(v2sf) =	vpush v3, $0xF  }
0x17c: {  	(v2sf) =	vpush v2, $0xF  }
0x17d: {  	(v2sf) =	vpush v1, $0xF;
	v1, _, _ =	vpop (xrf2)  }
0x17e: {  	(v2sf) =	vpush v1, $0xF;
	_ =	sdelay $0xb  }
0x17f: {  	s21 =	spop (v2sf)  }
0x180: {  	s20 =	sadd.s32 $0x4, s20;
	s21 =	sadd.f32 $1.000000000e+00, s21;
	s22 =	spop (v2sf)  }
0x181: {  	v1 =	vadd.s32 s20, v0;
	s22 =	sadd.f32 $1.000000000e+00, s22;
	s30 =	spop (v2sf)  }
0x182: {  	vm13 =	veq.s32 v0, $0x0;
	s20 =	sadd.f32 $1.000000000e+00, s30;
	v2 =	vmov s21;
	s31 =	spop (v2sf)  }
0x183: {  	vm14 =	veq.s32 v0, $0x1;
	s21 =	sadd.f32 $1.000000000e+00, s31;
	v2 =	vsel vm13, s22, v2  }
0x184: {  	s19 =	sadd.s32 $0x1, s19;
	vm15 =	veq.s32 v0, $0x2;
	v2 =	vsel vm14, s20, v2  }
0x185: {  	p0 =	sne.s32 s19, s9;
	v2 =	vsel vm15, s21, v2  }
.Ltmp1:
0x186: {  	[tilespmem:v1+s18+$0x0] =	vst.idx.msk $0xf, v2;
	(pc) =	sbr.rel @p0 .LBB2_1-.Ltmp1, $4  }
0x187: {  	[hbm4b:s8+s2] =	stream.linear.scatter [tilespmem:s18], [sflag:$0x2], $0x40, $0x38;
	[tilespmem:$0x9C80] =	vst v63  }
0x188: {  	_ =	swait.ge [sflag:s16], $0x40  }
0x189: {  	[sflag:s16] =	ssyncset.done $0x0  }
0x18a: {  	[sflag:s16] =	ssyncadd.s32 $0xFFFFFFC0  }
0x18b: {  	_ =	sfence.sel $0x180000  }
0x18c: {  	[bflag:$0x0] =	sbarrier.arrive $0xFFFF  }
0x18d: {  	p0 =	sne.s32 s0, $0x0;
	_ =	strace $0x90000047  }
0x18e: {  	s0 =	sadd.s32 @!p0 $0x100000, s1;
	[bflag:$0x2] =	sbarrier.arrive $0xFFFF  }
0x18f: {  	[sflag:s0] =	ssyncadd.tile.s32 @!p0 $0x1;
	_ =	shalt  }
.Lfunc_end2:
_tile_overlayer_lowered:
.L_overlay_start_2:
0x190: {  	(tag) =	ssettag $0x2  }
0x191: {  	s0 =	rddreg [dreg:$0x0];
	s2 =	stileid.u32  }
0x192: {  	s1 =	rddreg [dreg:$0x1];
	p0 =	sne.s32 s2, $0x0  }
0x193: {  	s3 =	rddreg [dreg:$0x2];
	[bflag:$0x3] =	sbarrier.arrive $0xFFFF;
	s2 =	simm.s32 @!p0 $0x1C02  }
0x194: {  	[timem:s3], [sflag:s2] =	dma.local @!p0 [hbm:s0], s1  }
0x195: {  	s0 =	simm.s32 @!p0 $0x2  }
0x196: {  	_ =	swait.ge @!p0 [sflag:s0], s1  }
0x197: {  	s1 =	ssub.s32 @!p0 $0x0, s1;
	[sflag:s0] =	ssyncset.done @!p0 $0x0  }
0x198: {  	[sflag:s0] =	ssyncadd.s32 @!p0 s1  }
0x199: {  	[bflag:$0x3] =	sbarrier.arrive $0xFFFF  }
0x19a: {  	_ =	shalt  }

</sc_bundles>
